<compile_context>
chip_gen: v7x
topology: tpu7x:2x2x1
jax: 0.10.2.dev20260603
libtpu: 0.0.44.dev20260713+nightly
codegen_flags: <defaults>
</compile_context>

<pallas_src>
import jax
import jax.numpy as jnp
from jax import lax
from jax.experimental import pallas as pl
from jax.experimental.pallas import tpu as pltpu
from jax.experimental.pallas import tpu_sc as plsc

NC, NS = 2, 16
NW = NC * NS
B = 16384
D = 128
NL, NSUBJ = 30, 100
CHUNK = 128
CPW = B // (NW * CHUNK)
NBUF = 3


def _body(labi, subi, labt, subt, out, idxL, idxS, tabL, tabS, bufL, bufS,
          gsemL, gsemS, wsemL, wsemS):
    sid = lax.axis_index("s")
    wid = sid * NC + lax.axis_index("c")
    row0 = wid * CPW
    base = row0 * CHUNK

    @pl.when(sid == 0)
    def _stage():
        cL = pltpu.async_copy(labt, tabL, gsemL)
        cS = pltpu.async_copy(subt, tabS, gsemS)
        cL.wait()
        cS.wait()

    ic = []
    for j in range(CPW):
        ic.append(pltpu.async_copy(labi.at[pl.ds(base + j * CHUNK, CHUNK)],
                                   idxL.at[j], wsemL))
        ic.append(pltpu.async_copy(subi.at[pl.ds(base + j * CHUNK, CHUNK)],
                                   idxS.at[j], wsemS))
    for c in ic:
        c.wait()
    plsc.subcore_barrier()

    gl = [None] * CPW
    gs = [None] * CPW
    wl = [None] * CPW
    ws = [None] * CPW
    gl[0] = pltpu.async_copy(tabL.at[idxL.at[0]], bufL.at[0], gsemL)
    gs[0] = pltpu.async_copy(tabS.at[idxS.at[0]], bufS.at[0], gsemS)
    for j in range(CPW):
        gl[j].wait()
        gs[j].wait()
        r = (row0 + j) * CHUNK
        wl[j] = pltpu.async_copy(bufL.at[j % NBUF],
                                 out.at[pl.ds(r, CHUNK), pl.ds(0, D)], wsemL)
        ws[j] = pltpu.async_copy(bufS.at[j % NBUF],
                                 out.at[pl.ds(r, CHUNK), pl.ds(D, D)], wsemS)
        if j + 1 < CPW:
            if j + 1 >= NBUF:
                wl[j + 1 - NBUF].wait()
                ws[j + 1 - NBUF].wait()
            gl[j + 1] = pltpu.async_copy(tabL.at[idxL.at[j + 1]],
                                         bufL.at[(j + 1) % NBUF], gsemL)
            gs[j + 1] = pltpu.async_copy(tabS.at[idxS.at[j + 1]],
                                         bufS.at[(j + 1) % NBUF], gsemS)
    for j in range(max(0, CPW - NBUF), CPW):
        wl[j].wait()
        ws[j].wait()


def kernel(lab_ids, subject_ids, lab_table, subject_table):
    labi = lab_ids.astype(jnp.int32)
    subi = subject_ids.astype(jnp.int32)
    mesh = plsc.VectorSubcoreMesh(core_axis_name="c", subcore_axis_name="s")
    f = pl.kernel(
        _body,
        mesh=mesh,
        out_type=jax.ShapeDtypeStruct((B, 2 * D), jnp.float32),
        scratch_types=[
            pltpu.VMEM((CPW, CHUNK), jnp.int32),
            pltpu.VMEM((CPW, CHUNK), jnp.int32),
            pltpu.VMEM_SHARED((NL, D), jnp.float32),
            pltpu.VMEM_SHARED((NSUBJ, D), jnp.float32),
            pltpu.VMEM((NBUF, CHUNK, D), jnp.float32),
            pltpu.VMEM((NBUF, CHUNK, D), jnp.float32),
            pltpu.SemaphoreType.DMA,
            pltpu.SemaphoreType.DMA,
            pltpu.SemaphoreType.DMA,
            pltpu.SemaphoreType.DMA,
        ],
    )
    return f(labi, subi, lab_table, subject_table)

# --- scband reference (transcript-rebuilt; emitter-appended) ---
"""Pipeline reference for scband-lab-context-adapter-10574209483445 (READ-ONLY COPY).

The authoritative reference and input builder live on the scoring server;
editing this copy changes nothing except your own understanding.
"""

import jax, jax.numpy as jnp
import numpy as np

NUM_LABS = 30
NUM_SUBJECTS = 100
EMBED_DIM = 128
BATCH = 16384

def setup_inputs(seed: int = 0) -> dict:
    key = jax.random.key(seed)
    k1, k2, k3, k4 = jax.random.split(key, 4)
    lab_ids = jax.random.randint(k1, (BATCH,), 0, NUM_LABS, dtype=jnp.int64) if jax.config.jax_enable_x64 else jax.random.randint(k1, (BATCH,), 0, NUM_LABS, dtype=jnp.int32)
    subject_ids = jax.random.randint(k2, (BATCH,), 0, NUM_SUBJECTS, dtype=jnp.int32)
    lab_table = jax.random.normal(k3, (NUM_LABS, EMBED_DIM), dtype=jnp.float32)
    subject_table = jax.random.normal(k4, (NUM_SUBJECTS, EMBED_DIM), dtype=jnp.float32)
    return {"lab_ids": lab_ids, "subject_ids": subject_ids, "lab_table": lab_table, "subject_table": subject_table}

def reference(lab_ids, subject_ids, lab_table, subject_table):
    # lab_emb = self.lab_embedding(lab_indices)
    lab_emb = jnp.take(lab_table, lab_ids, axis=0)
    # sub_emb = self.subject_embedding(subject_indices)
    sub_emb = jnp.take(subject_table, subject_ids, axis=0)
    # torch.cat([lab_emb, sub_emb], dim=-1)
    return jnp.concatenate([lab_emb, sub_emb], axis=-1)

if __name__ == "__main__":
    import jax
    _d = setup_inputs()
    print(jax.jit(kernel)(*tuple(_d.values())))

</pallas_src>

<mosaic_0001>
#map = affine_map<(d0, d1) -> (0)>
#map1 = affine_map<(d0, d1) -> (0, 0)>
module attributes {stable_mosaic.version = 14 : i64} {
  func.func @_body(%arg0: i32, %arg1: i32, %arg2: memref<16384xi32, #tpu.memory_space<hbm>>, %arg3: memref<16384xi32, #tpu.memory_space<hbm>>, %arg4: memref<30x128xf32, #tpu.memory_space<hbm>>, %arg5: memref<100x128xf32, #tpu.memory_space<hbm>>, %arg6: memref<16384x256xf32, #tpu.memory_space<hbm>>, %arg7: memref<4x128xi32, #tpu.memory_space<vmem>>, %arg8: memref<4x128xi32, #tpu.memory_space<vmem>>, %arg9: memref<30x128xf32, #tpu.memory_space<vmem_shared>>, %arg10: memref<100x128xf32, #tpu.memory_space<vmem_shared>>, %arg11: memref<3x128x128xf32, #tpu.memory_space<vmem>>, %arg12: memref<3x128x128xf32, #tpu.memory_space<vmem>>, %arg13: memref<!tpu.dma_semaphore, #tpu.memory_space<semaphore_mem>>, %arg14: memref<!tpu.dma_semaphore, #tpu.memory_space<semaphore_mem>>, %arg15: memref<!tpu.dma_semaphore, #tpu.memory_space<semaphore_mem>>, %arg16: memref<!tpu.dma_semaphore, #tpu.memory_space<semaphore_mem>>) attributes {dimension_semantics = [#tpu.dimension_semantics<core_parallel>, #tpu.dimension_semantics<subcore_parallel>], iteration_bounds = array<i64: 2, 16>, scalar_prefetch = 0 : i64, scratch_operands = 10 : i64, tpu.core_type = #tpu.core_type<sc_vector_subcore>, window_params = [{transform_indices = #map}, {transform_indices = #map}, {transform_indices = #map1}, {transform_indices = #map1}, {transform_indices = #map1}]} {
    %mul3A = arith.constant 2 : i32
    %mul3A_0 = arith.muli %arg1, %mul3A : i32
    %add3A = arith.addi %mul3A_0, %arg0 : i32
    %mul3A_1 = arith.constant 4 : i32
    %mul3A_2 = arith.muli %add3A, %mul3A_1 : i32
    %mul3A_3 = arith.constant 128 : i32
    %mul3A_4 = arith.muli %mul3A_2, %mul3A_3 : i32
    %eq3A = arith.constant 0 : i32
    %eq3A_5 = arith.cmpi eq, %arg1, %eq3A : i32
    %convert_element_type3A = arith.extui %eq3A_5 : i1 to i32
    %cond3A = arith.constant 0 : i32
    %cond3A_6 = arith.cmpi ne, %convert_element_type3A, %cond3A : i32
    scf.if %cond3A_6 {
      tpu.enqueue_dma source(%arg4 : memref<30x128xf32, #tpu.memory_space<hbm>>) target(%arg9 : memref<30x128xf32, #tpu.memory_space<vmem_shared>>) target_semaphore(%arg13 : memref<!tpu.dma_semaphore, #tpu.memory_space<semaphore_mem>>)
      tpu.enqueue_dma source(%arg5 : memref<100x128xf32, #tpu.memory_space<hbm>>) target(%arg10 : memref<100x128xf32, #tpu.memory_space<vmem_shared>>) target_semaphore(%arg14 : memref<!tpu.dma_semaphore, #tpu.memory_space<semaphore_mem>>)
      tpu.wait_dma2 semaphore(%arg13 : memref<!tpu.dma_semaphore, #tpu.memory_space<semaphore_mem>>) src(%arg4 : memref<30x128xf32, #tpu.memory_space<hbm>>) dst(%arg9 : memref<30x128xf32, #tpu.memory_space<vmem_shared>>)
      tpu.wait_dma2 semaphore(%arg14 : memref<!tpu.dma_semaphore, #tpu.memory_space<semaphore_mem>>) src(%arg5 : memref<100x128xf32, #tpu.memory_space<hbm>>) dst(%arg10 : memref<100x128xf32, #tpu.memory_space<vmem_shared>>)
    } else {
    }
    %add3A_7 = arith.constant 0 : i32
    %add3A_8 = arith.addi %mul3A_4, %add3A_7 : i32
    %dma_start3A = arith.constant 0 : i32
    %dma_start3A_9 = arith.constant 0 : i32
    %dma_start3A_10 = tpu.memref_slice %arg7[%dma_start3A, %dma_start3A_9] : memref<4x128xi32, #tpu.memory_space<vmem>> -> memref<1x128xi32, #tpu.memory_space<vmem>>
    %dma_start3A_11 = tpu.memref_squeeze %dma_start3A_10 : memref<1x128xi32, #tpu.memory_space<vmem>> -> memref<128xi32, #tpu.memory_space<vmem>>
    %dma_start3A_12 = tpu.memref_slice %arg2[%add3A_8] : memref<16384xi32, #tpu.memory_space<hbm>> -> memref<128xi32, #tpu.memory_space<hbm>>
    %dma_start3A_13 = arith.constant 0 : i32
    %dma_start3A_14 = tpu.memref_slice %arg7[%dma_start3A, %dma_start3A_13] : memref<4x128xi32, #tpu.memory_space<vmem>> -> memref<1x128xi32, #tpu.memory_space<vmem>>
    %dma_start3A_15 = tpu.memref_squeeze %dma_start3A_14 : memref<1x128xi32, #tpu.memory_space<vmem>> -> memref<128xi32, #tpu.memory_space<vmem>>
    %dma_start3A_16 = tpu.memref_slice %arg2[%add3A_8] : memref<16384xi32, #tpu.memory_space<hbm>> -> memref<128xi32, #tpu.memory_space<hbm>>
    tpu.enqueue_dma source(%dma_start3A_16 : memref<128xi32, #tpu.memory_space<hbm>>) target(%dma_start3A_15 : memref<128xi32, #tpu.memory_space<vmem>>) target_semaphore(%arg15 : memref<!tpu.dma_semaphore, #tpu.memory_space<semaphore_mem>>)
    %add3A_17 = arith.constant 0 : i32
    %add3A_18 = arith.addi %mul3A_4, %add3A_17 : i32
    %dma_start3A_19 = arith.constant 0 : i32
    %dma_start3A_20 = arith.constant 0 : i32
    %dma_start3A_21 = tpu.memref_slice %arg8[%dma_start3A_19, %dma_start3A_20] : memref<4x128xi32, #tpu.memory_space<vmem>> -> memref<1x128xi32, #tpu.memory_space<vmem>>
    %dma_start3A_22 = tpu.memref_squeeze %dma_start3A_21 : memref<1x128xi32, #tpu.memory_space<vmem>> -> memref<128xi32, #tpu.memory_space<vmem>>
    %dma_start3A_23 = tpu.memref_slice %arg3[%add3A_18] : memref<16384xi32, #tpu.memory_space<hbm>> -> memref<128xi32, #tpu.memory_space<hbm>>
    %dma_start3A_24 = arith.constant 0 : i32
    %dma_start3A_25 = tpu.memref_slice %arg8[%dma_start3A_19, %dma_start3A_24] : memref<4x128xi32, #tpu.memory_space<vmem>> -> memref<1x128xi32, #tpu.memory_space<vmem>>
    %dma_start3A_26 = tpu.memref_squeeze %dma_start3A_25 : memref<1x128xi32, #tpu.memory_space<vmem>> -> memref<128xi32, #tpu.memory_space<vmem>>
    %dma_start3A_27 = tpu.memref_slice %arg3[%add3A_18] : memref<16384xi32, #tpu.memory_space<hbm>> -> memref<128xi32, #tpu.memory_space<hbm>>
    tpu.enqueue_dma source(%dma_start3A_27 : memref<128xi32, #tpu.memory_space<hbm>>) target(%dma_start3A_26 : memref<128xi32, #tpu.memory_space<vmem>>) target_semaphore(%arg16 : memref<!tpu.dma_semaphore, #tpu.memory_space<semaphore_mem>>)
    %add3A_28 = arith.constant 128 : i32
    %add3A_29 = arith.addi %mul3A_4, %add3A_28 : i32
    %dma_start3A_30 = arith.constant 1 : i32
    %dma_start3A_31 = arith.constant 0 : i32
    %dma_start3A_32 = tpu.memref_slice %arg7[%dma_start3A_30, %dma_start3A_31] : memref<4x128xi32, #tpu.memory_space<vmem>> -> memref<1x128xi32, #tpu.memory_space<vmem>>
    %dma_start3A_33 = tpu.memref_squeeze %dma_start3A_32 : memref<1x128xi32, #tpu.memory_space<vmem>> -> memref<128xi32, #tpu.memory_space<vmem>>
    %dma_start3A_34 = tpu.memref_slice %arg2[%add3A_29] : memref<16384xi32, #tpu.memory_space<hbm>> -> memref<128xi32, #tpu.memory_space<hbm>>
    %dma_start3A_35 = arith.constant 0 : i32
    %dma_start3A_36 = tpu.memref_slice %arg7[%dma_start3A_30, %dma_start3A_35] : memref<4x128xi32, #tpu.memory_space<vmem>> -> memref<1x128xi32, #tpu.memory_space<vmem>>
    %dma_start3A_37 = tpu.memref_squeeze %dma_start3A_36 : memref<1x128xi32, #tpu.memory_space<vmem>> -> memref<128xi32, #tpu.memory_space<vmem>>
    %dma_start3A_38 = tpu.memref_slice %arg2[%add3A_29] : memref<16384xi32, #tpu.memory_space<hbm>> -> memref<128xi32, #tpu.memory_space<hbm>>
    tpu.enqueue_dma source(%dma_start3A_38 : memref<128xi32, #tpu.memory_space<hbm>>) target(%dma_start3A_37 : memref<128xi32, #tpu.memory_space<vmem>>) target_semaphore(%arg15 : memref<!tpu.dma_semaphore, #tpu.memory_space<semaphore_mem>>)
    %add3A_39 = arith.constant 128 : i32
    %add3A_40 = arith.addi %mul3A_4, %add3A_39 : i32
    %dma_start3A_41 = arith.constant 1 : i32
    %dma_start3A_42 = arith.constant 0 : i32
    %dma_start3A_43 = tpu.memref_slice %arg8[%dma_start3A_41, %dma_start3A_42] : memref<4x128xi32, #tpu.memory_space<vmem>> -> memref<1x128xi32, #tpu.memory_space<vmem>>
    %dma_start3A_44 = tpu.memref_squeeze %dma_start3A_43 : memref<1x128xi32, #tpu.memory_space<vmem>> -> memref<128xi32, #tpu.memory_space<vmem>>
    %dma_start3A_45 = tpu.memref_slice %arg3[%add3A_40] : memref<16384xi32, #tpu.memory_space<hbm>> -> memref<128xi32, #tpu.memory_space<hbm>>
    %dma_start3A_46 = arith.constant 0 : i32
    %dma_start3A_47 = tpu.memref_slice %arg8[%dma_start3A_41, %dma_start3A_46] : memref<4x128xi32, #tpu.memory_space<vmem>> -> memref<1x128xi32, #tpu.memory_space<vmem>>
    %dma_start3A_48 = tpu.memref_squeeze %dma_start3A_47 : memref<1x128xi32, #tpu.memory_space<vmem>> -> memref<128xi32, #tpu.memory_space<vmem>>
    %dma_start3A_49 = tpu.memref_slice %arg3[%add3A_40] : memref<16384xi32, #tpu.memory_space<hbm>> -> memref<128xi32, #tpu.memory_space<hbm>>
    tpu.enqueue_dma source(%dma_start3A_49 : memref<128xi32, #tpu.memory_space<hbm>>) target(%dma_start3A_48 : memref<128xi32, #tpu.memory_space<vmem>>) target_semaphore(%arg16 : memref<!tpu.dma_semaphore, #tpu.memory_space<semaphore_mem>>)
    %add3A_50 = arith.constant 256 : i32
    %add3A_51 = arith.addi %mul3A_4, %add3A_50 : i32
    %dma_start3A_52 = arith.constant 2 : i32
    %dma_start3A_53 = arith.constant 0 : i32
    %dma_start3A_54 = tpu.memref_slice %arg7[%dma_start3A_52, %dma_start3A_53] : memref<4x128xi32, #tpu.memory_space<vmem>> -> memref<1x128xi32, #tpu.memory_space<vmem>>
    %dma_start3A_55 = tpu.memref_squeeze %dma_start3A_54 : memref<1x128xi32, #tpu.memory_space<vmem>> -> memref<128xi32, #tpu.memory_space<vmem>>
    %dma_start3A_56 = tpu.memref_slice %arg2[%add3A_51] : memref<16384xi32, #tpu.memory_space<hbm>> -> memref<128xi32, #tpu.memory_space<hbm>>
    %dma_start3A_57 = arith.constant 0 : i32
    %dma_start3A_58 = tpu.memref_slice %arg7[%dma_start3A_52, %dma_start3A_57] : memref<4x128xi32, #tpu.memory_space<vmem>> -> memref<1x128xi32, #tpu.memory_space<vmem>>
    %dma_start3A_59 = tpu.memref_squeeze %dma_start3A_58 : memref<1x128xi32, #tpu.memory_space<vmem>> -> memref<128xi32, #tpu.memory_space<vmem>>
    %dma_start3A_60 = tpu.memref_slice %arg2[%add3A_51] : memref<16384xi32, #tpu.memory_space<hbm>> -> memref<128xi32, #tpu.memory_space<hbm>>
    tpu.enqueue_dma source(%dma_start3A_60 : memref<128xi32, #tpu.memory_space<hbm>>) target(%dma_start3A_59 : memref<128xi32, #tpu.memory_space<vmem>>) target_semaphore(%arg15 : memref<!tpu.dma_semaphore, #tpu.memory_space<semaphore_mem>>)
    %add3A_61 = arith.constant 256 : i32
    %add3A_62 = arith.addi %mul3A_4, %add3A_61 : i32
    %dma_start3A_63 = arith.constant 2 : i32
    %dma_start3A_64 = arith.constant 0 : i32
    %dma_start3A_65 = tpu.memref_slice %arg8[%dma_start3A_63, %dma_start3A_64] : memref<4x128xi32, #tpu.memory_space<vmem>> -> memref<1x128xi32, #tpu.memory_space<vmem>>
    %dma_start3A_66 = tpu.memref_squeeze %dma_start3A_65 : memref<1x128xi32, #tpu.memory_space<vmem>> -> memref<128xi32, #tpu.memory_space<vmem>>
    %dma_start3A_67 = tpu.memref_slice %arg3[%add3A_62] : memref<16384xi32, #tpu.memory_space<hbm>> -> memref<128xi32, #tpu.memory_space<hbm>>
    %dma_start3A_68 = arith.constant 0 : i32
    %dma_start3A_69 = tpu.memref_slice %arg8[%dma_start3A_63, %dma_start3A_68] : memref<4x128xi32, #tpu.memory_space<vmem>> -> memref<1x128xi32, #tpu.memory_space<vmem>>
    %dma_start3A_70 = tpu.memref_squeeze %dma_start3A_69 : memref<1x128xi32, #tpu.memory_space<vmem>> -> memref<128xi32, #tpu.memory_space<vmem>>
    %dma_start3A_71 = tpu.memref_slice %arg3[%add3A_62] : memref<16384xi32, #tpu.memory_space<hbm>> -> memref<128xi32, #tpu.memory_space<hbm>>
    tpu.enqueue_dma source(%dma_start3A_71 : memref<128xi32, #tpu.memory_space<hbm>>) target(%dma_start3A_70 : memref<128xi32, #tpu.memory_space<vmem>>) target_semaphore(%arg16 : memref<!tpu.dma_semaphore, #tpu.memory_space<semaphore_mem>>)
    %add3A_72 = arith.constant 384 : i32
    %add3A_73 = arith.addi %mul3A_4, %add3A_72 : i32
    %dma_start3A_74 = arith.constant 3 : i32
    %dma_start3A_75 = arith.constant 0 : i32
    %dma_start3A_76 = tpu.memref_slice %arg7[%dma_start3A_74, %dma_start3A_75] : memref<4x128xi32, #tpu.memory_space<vmem>> -> memref<1x128xi32, #tpu.memory_space<vmem>>
    %dma_start3A_77 = tpu.memref_squeeze %dma_start3A_76 : memref<1x128xi32, #tpu.memory_space<vmem>> -> memref<128xi32, #tpu.memory_space<vmem>>
    %dma_start3A_78 = tpu.memref_slice %arg2[%add3A_73] : memref<16384xi32, #tpu.memory_space<hbm>> -> memref<128xi32, #tpu.memory_space<hbm>>
    %dma_start3A_79 = arith.constant 0 : i32
    %dma_start3A_80 = tpu.memref_slice %arg7[%dma_start3A_74, %dma_start3A_79] : memref<4x128xi32, #tpu.memory_space<vmem>> -> memref<1x128xi32, #tpu.memory_space<vmem>>
    %dma_start3A_81 = tpu.memref_squeeze %dma_start3A_80 : memref<1x128xi32, #tpu.memory_space<vmem>> -> memref<128xi32, #tpu.memory_space<vmem>>
    %dma_start3A_82 = tpu.memref_slice %arg2[%add3A_73] : memref<16384xi32, #tpu.memory_space<hbm>> -> memref<128xi32, #tpu.memory_space<hbm>>
    tpu.enqueue_dma source(%dma_start3A_82 : memref<128xi32, #tpu.memory_space<hbm>>) target(%dma_start3A_81 : memref<128xi32, #tpu.memory_space<vmem>>) target_semaphore(%arg15 : memref<!tpu.dma_semaphore, #tpu.memory_space<semaphore_mem>>)
    %add3A_83 = arith.constant 384 : i32
    %add3A_84 = arith.addi %mul3A_4, %add3A_83 : i32
    %dma_start3A_85 = arith.constant 3 : i32
    %dma_start3A_86 = arith.constant 0 : i32
    %dma_start3A_87 = tpu.memref_slice %arg8[%dma_start3A_85, %dma_start3A_86] : memref<4x128xi32, #tpu.memory_space<vmem>> -> memref<1x128xi32, #tpu.memory_space<vmem>>
    %dma_start3A_88 = tpu.memref_squeeze %dma_start3A_87 : memref<1x128xi32, #tpu.memory_space<vmem>> -> memref<128xi32, #tpu.memory_space<vmem>>
    %dma_start3A_89 = tpu.memref_slice %arg3[%add3A_84] : memref<16384xi32, #tpu.memory_space<hbm>> -> memref<128xi32, #tpu.memory_space<hbm>>
    %dma_start3A_90 = arith.constant 0 : i32
    %dma_start3A_91 = tpu.memref_slice %arg8[%dma_start3A_85, %dma_start3A_90] : memref<4x128xi32, #tpu.memory_space<vmem>> -> memref<1x128xi32, #tpu.memory_space<vmem>>
    %dma_start3A_92 = tpu.memref_squeeze %dma_start3A_91 : memref<1x128xi32, #tpu.memory_space<vmem>> -> memref<128xi32, #tpu.memory_space<vmem>>
    %dma_start3A_93 = tpu.memref_slice %arg3[%add3A_84] : memref<16384xi32, #tpu.memory_space<hbm>> -> memref<128xi32, #tpu.memory_space<hbm>>
    tpu.enqueue_dma source(%dma_start3A_93 : memref<128xi32, #tpu.memory_space<hbm>>) target(%dma_start3A_92 : memref<128xi32, #tpu.memory_space<vmem>>) target_semaphore(%arg16 : memref<!tpu.dma_semaphore, #tpu.memory_space<semaphore_mem>>)
    %dma_wait3A = arith.constant 0 : i32
    %dma_wait3A_94 = arith.constant 0 : i32
    %dma_wait3A_95 = tpu.memref_slice %arg7[%dma_wait3A, %dma_wait3A_94] : memref<4x128xi32, #tpu.memory_space<vmem>> -> memref<1x128xi32, #tpu.memory_space<vmem>>
    %dma_wait3A_96 = tpu.memref_squeeze %dma_wait3A_95 : memref<1x128xi32, #tpu.memory_space<vmem>> -> memref<128xi32, #tpu.memory_space<vmem>>
    %dma_wait3A_97 = tpu.memref_slice %arg2[%add3A_8] : memref<16384xi32, #tpu.memory_space<hbm>> -> memref<128xi32, #tpu.memory_space<hbm>>
    %dma_wait3A_98 = arith.constant 0 : i32
    %dma_wait3A_99 = tpu.memref_slice %arg7[%dma_wait3A, %dma_wait3A_98] : memref<4x128xi32, #tpu.memory_space<vmem>> -> memref<1x128xi32, #tpu.memory_space<vmem>>
    %dma_wait3A_100 = tpu.memref_squeeze %dma_wait3A_99 : memref<1x128xi32, #tpu.memory_space<vmem>> -> memref<128xi32, #tpu.memory_space<vmem>>
    %dma_wait3A_101 = tpu.memref_slice %arg2[%add3A_8] : memref<16384xi32, #tpu.memory_space<hbm>> -> memref<128xi32, #tpu.memory_space<hbm>>
    tpu.wait_dma2 semaphore(%arg15 : memref<!tpu.dma_semaphore, #tpu.memory_space<semaphore_mem>>) src(%dma_wait3A_101 : memref<128xi32, #tpu.memory_space<hbm>>) dst(%dma_wait3A_100 : memref<128xi32, #tpu.memory_space<vmem>>)
    %dma_wait3A_102 = arith.constant 0 : i32
    %dma_wait3A_103 = arith.constant 0 : i32
    %dma_wait3A_104 = tpu.memref_slice %arg8[%dma_wait3A_102, %dma_wait3A_103] : memref<4x128xi32, #tpu.memory_space<vmem>> -> memref<1x128xi32, #tpu.memory_space<vmem>>
    %dma_wait3A_105 = tpu.memref_squeeze %dma_wait3A_104 : memref<1x128xi32, #tpu.memory_space<vmem>> -> memref<128xi32, #tpu.memory_space<vmem>>
    %dma_wait3A_106 = tpu.memref_slice %arg3[%add3A_18] : memref<16384xi32, #tpu.memory_space<hbm>> -> memref<128xi32, #tpu.memory_space<hbm>>
    %dma_wait3A_107 = arith.constant 0 : i32
    %dma_wait3A_108 = tpu.memref_slice %arg8[%dma_wait3A_102, %dma_wait3A_107] : memref<4x128xi32, #tpu.memory_space<vmem>> -> memref<1x128xi32, #tpu.memory_space<vmem>>
    %dma_wait3A_109 = tpu.memref_squeeze %dma_wait3A_108 : memref<1x128xi32, #tpu.memory_space<vmem>> -> memref<128xi32, #tpu.memory_space<vmem>>
    %dma_wait3A_110 = tpu.memref_slice %arg3[%add3A_18] : memref<16384xi32, #tpu.memory_space<hbm>> -> memref<128xi32, #tpu.memory_space<hbm>>
    tpu.wait_dma2 semaphore(%arg16 : memref<!tpu.dma_semaphore, #tpu.memory_space<semaphore_mem>>) src(%dma_wait3A_110 : memref<128xi32, #tpu.memory_space<hbm>>) dst(%dma_wait3A_109 : memref<128xi32, #tpu.memory_space<vmem>>)
    %dma_wait3A_111 = arith.constant 1 : i32
    %dma_wait3A_112 = arith.constant 0 : i32
    %dma_wait3A_113 = tpu.memref_slice %arg7[%dma_wait3A_111, %dma_wait3A_112] : memref<4x128xi32, #tpu.memory_space<vmem>> -> memref<1x128xi32, #tpu.memory_space<vmem>>
    %dma_wait3A_114 = tpu.memref_squeeze %dma_wait3A_113 : memref<1x128xi32, #tpu.memory_space<vmem>> -> memref<128xi32, #tpu.memory_space<vmem>>
    %dma_wait3A_115 = tpu.memref_slice %arg2[%add3A_29] : memref<16384xi32, #tpu.memory_space<hbm>> -> memref<128xi32, #tpu.memory_space<hbm>>
    %dma_wait3A_116 = arith.constant 0 : i32
    %dma_wait3A_117 = tpu.memref_slice %arg7[%dma_wait3A_111, %dma_wait3A_116] : memref<4x128xi32, #tpu.memory_space<vmem>> -> memref<1x128xi32, #tpu.memory_space<vmem>>
    %dma_wait3A_118 = tpu.memref_squeeze %dma_wait3A_117 : memref<1x128xi32, #tpu.memory_space<vmem>> -> memref<128xi32, #tpu.memory_space<vmem>>
    %dma_wait3A_119 = tpu.memref_slice %arg2[%add3A_29] : memref<16384xi32, #tpu.memory_space<hbm>> -> memref<128xi32, #tpu.memory_space<hbm>>
    tpu.wait_dma2 semaphore(%arg15 : memref<!tpu.dma_semaphore, #tpu.memory_space<semaphore_mem>>) src(%dma_wait3A_119 : memref<128xi32, #tpu.memory_space<hbm>>) dst(%dma_wait3A_118 : memref<128xi32, #tpu.memory_space<vmem>>)
    %dma_wait3A_120 = arith.constant 1 : i32
    %dma_wait3A_121 = arith.constant 0 : i32
    %dma_wait3A_122 = tpu.memref_slice %arg8[%dma_wait3A_120, %dma_wait3A_121] : memref<4x128xi32, #tpu.memory_space<vmem>> -> memref<1x128xi32, #tpu.memory_space<vmem>>
    %dma_wait3A_123 = tpu.memref_squeeze %dma_wait3A_122 : memref<1x128xi32, #tpu.memory_space<vmem>> -> memref<128xi32, #tpu.memory_space<vmem>>
    %dma_wait3A_124 = tpu.memref_slice %arg3[%add3A_40] : memref<16384xi32, #tpu.memory_space<hbm>> -> memref<128xi32, #tpu.memory_space<hbm>>
    %dma_wait3A_125 = arith.constant 0 : i32
    %dma_wait3A_126 = tpu.memref_slice %arg8[%dma_wait3A_120, %dma_wait3A_125] : memref<4x128xi32, #tpu.memory_space<vmem>> -> memref<1x128xi32, #tpu.memory_space<vmem>>
    %dma_wait3A_127 = tpu.memref_squeeze %dma_wait3A_126 : memref<1x128xi32, #tpu.memory_space<vmem>> -> memref<128xi32, #tpu.memory_space<vmem>>
    %dma_wait3A_128 = tpu.memref_slice %arg3[%add3A_40] : memref<16384xi32, #tpu.memory_space<hbm>> -> memref<128xi32, #tpu.memory_space<hbm>>
    tpu.wait_dma2 semaphore(%arg16 : memref<!tpu.dma_semaphore, #tpu.memory_space<semaphore_mem>>) src(%dma_wait3A_128 : memref<128xi32, #tpu.memory_space<hbm>>) dst(%dma_wait3A_127 : memref<128xi32, #tpu.memory_space<vmem>>)
    %dma_wait3A_129 = arith.constant 2 : i32
    %dma_wait3A_130 = arith.constant 0 : i32
    %dma_wait3A_131 = tpu.memref_slice %arg7[%dma_wait3A_129, %dma_wait3A_130] : memref<4x128xi32, #tpu.memory_space<vmem>> -> memref<1x128xi32, #tpu.memory_space<vmem>>
    %dma_wait3A_132 = tpu.memref_squeeze %dma_wait3A_131 : memref<1x128xi32, #tpu.memory_space<vmem>> -> memref<128xi32, #tpu.memory_space<vmem>>
    %dma_wait3A_133 = tpu.memref_slice %arg2[%add3A_51] : memref<16384xi32, #tpu.memory_space<hbm>> -> memref<128xi32, #tpu.memory_space<hbm>>
    %dma_wait3A_134 = arith.constant 0 : i32
    %dma_wait3A_135 = tpu.memref_slice %arg7[%dma_wait3A_129, %dma_wait3A_134] : memref<4x128xi32, #tpu.memory_space<vmem>> -> memref<1x128xi32, #tpu.memory_space<vmem>>
    %dma_wait3A_136 = tpu.memref_squeeze %dma_wait3A_135 : memref<1x128xi32, #tpu.memory_space<vmem>> -> memref<128xi32, #tpu.memory_space<vmem>>
    %dma_wait3A_137 = tpu.memref_slice %arg2[%add3A_51] : memref<16384xi32, #tpu.memory_space<hbm>> -> memref<128xi32, #tpu.memory_space<hbm>>
    tpu.wait_dma2 semaphore(%arg15 : memref<!tpu.dma_semaphore, #tpu.memory_space<semaphore_mem>>) src(%dma_wait3A_137 : memref<128xi32, #tpu.memory_space<hbm>>) dst(%dma_wait3A_136 : memref<128xi32, #tpu.memory_space<vmem>>)
    %dma_wait3A_138 = arith.constant 2 : i32
    %dma_wait3A_139 = arith.constant 0 : i32
    %dma_wait3A_140 = tpu.memref_slice %arg8[%dma_wait3A_138, %dma_wait3A_139] : memref<4x128xi32, #tpu.memory_space<vmem>> -> memref<1x128xi32, #tpu.memory_space<vmem>>
    %dma_wait3A_141 = tpu.memref_squeeze %dma_wait3A_140 : memref<1x128xi32, #tpu.memory_space<vmem>> -> memref<128xi32, #tpu.memory_space<vmem>>
    %dma_wait3A_142 = tpu.memref_slice %arg3[%add3A_62] : memref<16384xi32, #tpu.memory_space<hbm>> -> memref<128xi32, #tpu.memory_space<hbm>>
    %dma_wait3A_143 = arith.constant 0 : i32
    %dma_wait3A_144 = tpu.memref_slice %arg8[%dma_wait3A_138, %dma_wait3A_143] : memref<4x128xi32, #tpu.memory_space<vmem>> -> memref<1x128xi32, #tpu.memory_space<vmem>>
    %dma_wait3A_145 = tpu.memref_squeeze %dma_wait3A_144 : memref<1x128xi32, #tpu.memory_space<vmem>> -> memref<128xi32, #tpu.memory_space<vmem>>
    %dma_wait3A_146 = tpu.memref_slice %arg3[%add3A_62] : memref<16384xi32, #tpu.memory_space<hbm>> -> memref<128xi32, #tpu.memory_space<hbm>>
    tpu.wait_dma2 semaphore(%arg16 : memref<!tpu.dma_semaphore, #tpu.memory_space<semaphore_mem>>) src(%dma_wait3A_146 : memref<128xi32, #tpu.memory_space<hbm>>) dst(%dma_wait3A_145 : memref<128xi32, #tpu.memory_space<vmem>>)
    %dma_wait3A_147 = arith.constant 3 : i32
    %dma_wait3A_148 = arith.constant 0 : i32
    %dma_wait3A_149 = tpu.memref_slice %arg7[%dma_wait3A_147, %dma_wait3A_148] : memref<4x128xi32, #tpu.memory_space<vmem>> -> memref<1x128xi32, #tpu.memory_space<vmem>>
    %dma_wait3A_150 = tpu.memref_squeeze %dma_wait3A_149 : memref<1x128xi32, #tpu.memory_space<vmem>> -> memref<128xi32, #tpu.memory_space<vmem>>
    %dma_wait3A_151 = tpu.memref_slice %arg2[%add3A_73] : memref<16384xi32, #tpu.memory_space<hbm>> -> memref<128xi32, #tpu.memory_space<hbm>>
    %dma_wait3A_152 = arith.constant 0 : i32
    %dma_wait3A_153 = tpu.memref_slice %arg7[%dma_wait3A_147, %dma_wait3A_152] : memref<4x128xi32, #tpu.memory_space<vmem>> -> memref<1x128xi32, #tpu.memory_space<vmem>>
    %dma_wait3A_154 = tpu.memref_squeeze %dma_wait3A_153 : memref<1x128xi32, #tpu.memory_space<vmem>> -> memref<128xi32, #tpu.memory_space<vmem>>
    %dma_wait3A_155 = tpu.memref_slice %arg2[%add3A_73] : memref<16384xi32, #tpu.memory_space<hbm>> -> memref<128xi32, #tpu.memory_space<hbm>>
    tpu.wait_dma2 semaphore(%arg15 : memref<!tpu.dma_semaphore, #tpu.memory_space<semaphore_mem>>) src(%dma_wait3A_155 : memref<128xi32, #tpu.memory_space<hbm>>) dst(%dma_wait3A_154 : memref<128xi32, #tpu.memory_space<vmem>>)
    %dma_wait3A_156 = arith.constant 3 : i32
    %dma_wait3A_157 = arith.constant 0 : i32
    %dma_wait3A_158 = tpu.memref_slice %arg8[%dma_wait3A_156, %dma_wait3A_157] : memref<4x128xi32, #tpu.memory_space<vmem>> -> memref<1x128xi32, #tpu.memory_space<vmem>>
    %dma_wait3A_159 = tpu.memref_squeeze %dma_wait3A_158 : memref<1x128xi32, #tpu.memory_space<vmem>> -> memref<128xi32, #tpu.memory_space<vmem>>
    %dma_wait3A_160 = tpu.memref_slice %arg3[%add3A_84] : memref<16384xi32, #tpu.memory_space<hbm>> -> memref<128xi32, #tpu.memory_space<hbm>>
    %dma_wait3A_161 = arith.constant 0 : i32
    %dma_wait3A_162 = tpu.memref_slice %arg8[%dma_wait3A_156, %dma_wait3A_161] : memref<4x128xi32, #tpu.memory_space<vmem>> -> memref<1x128xi32, #tpu.memory_space<vmem>>
    %dma_wait3A_163 = tpu.memref_squeeze %dma_wait3A_162 : memref<1x128xi32, #tpu.memory_space<vmem>> -> memref<128xi32, #tpu.memory_space<vmem>>
    %dma_wait3A_164 = tpu.memref_slice %arg3[%add3A_84] : memref<16384xi32, #tpu.memory_space<hbm>> -> memref<128xi32, #tpu.memory_space<hbm>>
    tpu.wait_dma2 semaphore(%arg16 : memref<!tpu.dma_semaphore, #tpu.memory_space<semaphore_mem>>) src(%dma_wait3A_164 : memref<128xi32, #tpu.memory_space<hbm>>) dst(%dma_wait3A_163 : memref<128xi32, #tpu.memory_space<vmem>>)
    %barrier3A = arith.constant 0 : index
    tpu.barrier barrier_id(%barrier3A)
    %dma_start3A_165 = arith.constant 0 : i32
    %dma_start3A_166 = arith.constant 0 : i32
    %dma_start3A_167 = arith.constant 0 : i32
    %dma_start3A_168 = arith.constant 0 : i32
    %dma_start3A_169 = tpu.memref_slice %arg11[%dma_start3A_166, %dma_start3A_167, %dma_start3A_168] : memref<3x128x128xf32, #tpu.memory_space<vmem>> -> memref<1x128x128xf32, #tpu.memory_space<vmem>>
    %dma_start3A_170 = tpu.memref_squeeze %dma_start3A_169 : memref<1x128x128xf32, #tpu.memory_space<vmem>> -> memref<128x128xf32, #tpu.memory_space<vmem>>
    %dma_start3A_171 = arith.constant 0 : i32
    %dma_start3A_172 = tpu.memref_slice %arg7[%dma_start3A_165, %dma_start3A_171] : memref<4x128xi32, #tpu.memory_space<vmem>> -> memref<1x128xi32, #tpu.memory_space<vmem>>
    %dma_start3A_173 = tpu.memref_squeeze %dma_start3A_172 : memref<1x128xi32, #tpu.memory_space<vmem>> -> memref<128xi32, #tpu.memory_space<vmem>>
    %dma_start3A_174 = arith.constant 0 : i32
    %dma_start3A_175 = arith.constant 0 : i32
    %dma_start3A_176 = tpu.memref_slice %arg9[%dma_start3A_174, %dma_start3A_175] : memref<30x128xf32, #tpu.memory_space<vmem_shared>> -> memref<30x128xf32, #tpu.memory_space<vmem_shared>>
    tpu.enqueue_indirect_dma source(%dma_start3A_176 : memref<30x128xf32, #tpu.memory_space<vmem_shared>>) target(%dma_start3A_170 : memref<128x128xf32, #tpu.memory_space<vmem>>) offsets(%dma_start3A_173 : memref<128xi32, #tpu.memory_space<vmem>>) semaphore(%arg13 : memref<!tpu.dma_semaphore, #tpu.memory_space<semaphore_mem>>)
    %dma_start3A_177 = arith.constant 0 : i32
    %dma_start3A_178 = arith.constant 0 : i32
    %dma_start3A_179 = arith.constant 0 : i32
    %dma_start3A_180 = arith.constant 0 : i32
    %dma_start3A_181 = tpu.memref_slice %arg12[%dma_start3A_178, %dma_start3A_179, %dma_start3A_180] : memref<3x128x128xf32, #tpu.memory_space<vmem>> -> memref<1x128x128xf32, #tpu.memory_space<vmem>>
    %dma_start3A_182 = tpu.memref_squeeze %dma_start3A_181 : memref<1x128x128xf32, #tpu.memory_space<vmem>> -> memref<128x128xf32, #tpu.memory_space<vmem>>
    %dma_start3A_183 = arith.constant 0 : i32
    %dma_start3A_184 = tpu.memref_slice %arg8[%dma_start3A_177, %dma_start3A_183] : memref<4x128xi32, #tpu.memory_space<vmem>> -> memref<1x128xi32, #tpu.memory_space<vmem>>
    %dma_start3A_185 = tpu.memref_squeeze %dma_start3A_184 : memref<1x128xi32, #tpu.memory_space<vmem>> -> memref<128xi32, #tpu.memory_space<vmem>>
    %dma_start3A_186 = arith.constant 0 : i32
    %dma_start3A_187 = arith.constant 0 : i32
    %dma_start3A_188 = tpu.memref_slice %arg10[%dma_start3A_186, %dma_start3A_187] : memref<100x128xf32, #tpu.memory_space<vmem_shared>> -> memref<100x128xf32, #tpu.memory_space<vmem_shared>>
    tpu.enqueue_indirect_dma source(%dma_start3A_188 : memref<100x128xf32, #tpu.memory_space<vmem_shared>>) target(%dma_start3A_182 : memref<128x128xf32, #tpu.memory_space<vmem>>) offsets(%dma_start3A_185 : memref<128xi32, #tpu.memory_space<vmem>>) semaphore(%arg14 : memref<!tpu.dma_semaphore, #tpu.memory_space<semaphore_mem>>)
    %dma_wait3A_189 = arith.constant 0 : i32
    %dma_wait3A_190 = arith.constant 0 : i32
    %dma_wait3A_191 = arith.constant 0 : i32
    %dma_wait3A_192 = arith.constant 0 : i32
    %dma_wait3A_193 = tpu.memref_slice %arg11[%dma_wait3A_190, %dma_wait3A_191, %dma_wait3A_192] : memref<3x128x128xf32, #tpu.memory_space<vmem>> -> memref<1x128x128xf32, #tpu.memory_space<vmem>>
    %dma_wait3A_194 = tpu.memref_squeeze %dma_wait3A_193 : memref<1x128x128xf32, #tpu.memory_space<vmem>> -> memref<128x128xf32, #tpu.memory_space<vmem>>
    %dma_wait3A_195 = arith.constant 0 : i32
    %dma_wait3A_196 = tpu.memref_slice %arg7[%dma_wait3A_189, %dma_wait3A_195] : memref<4x128xi32, #tpu.memory_space<vmem>> -> memref<1x128xi32, #tpu.memory_space<vmem>>
    %dma_wait3A_197 = tpu.memref_squeeze %dma_wait3A_196 : memref<1x128xi32, #tpu.memory_space<vmem>> -> memref<128xi32, #tpu.memory_space<vmem>>
    %dma_wait3A_198 = arith.constant 0 : i32
    %dma_wait3A_199 = arith.constant 0 : i32
    %dma_wait3A_200 = tpu.memref_slice %arg9[%dma_wait3A_198, %dma_wait3A_199] : memref<30x128xf32, #tpu.memory_space<vmem_shared>> -> memref<30x128xf32, #tpu.memory_space<vmem_shared>>
    tpu.wait_indirect_dma semaphore(%arg13 : memref<!tpu.dma_semaphore, #tpu.memory_space<semaphore_mem>>) src(%dma_wait3A_200 : memref<30x128xf32, #tpu.memory_space<vmem_shared>>) dst(%dma_wait3A_194 : memref<128x128xf32, #tpu.memory_space<vmem>>)
    %dma_wait3A_201 = arith.constant 0 : i32
    %dma_wait3A_202 = arith.constant 0 : i32
    %dma_wait3A_203 = arith.constant 0 : i32
    %dma_wait3A_204 = arith.constant 0 : i32
    %dma_wait3A_205 = tpu.memref_slice %arg12[%dma_wait3A_202, %dma_wait3A_203, %dma_wait3A_204] : memref<3x128x128xf32, #tpu.memory_space<vmem>> -> memref<1x128x128xf32, #tpu.memory_space<vmem>>
    %dma_wait3A_206 = tpu.memref_squeeze %dma_wait3A_205 : memref<1x128x128xf32, #tpu.memory_space<vmem>> -> memref<128x128xf32, #tpu.memory_space<vmem>>
    %dma_wait3A_207 = arith.constant 0 : i32
    %dma_wait3A_208 = tpu.memref_slice %arg8[%dma_wait3A_201, %dma_wait3A_207] : memref<4x128xi32, #tpu.memory_space<vmem>> -> memref<1x128xi32, #tpu.memory_space<vmem>>
    %dma_wait3A_209 = tpu.memref_squeeze %dma_wait3A_208 : memref<1x128xi32, #tpu.memory_space<vmem>> -> memref<128xi32, #tpu.memory_space<vmem>>
    %dma_wait3A_210 = arith.constant 0 : i32
    %dma_wait3A_211 = arith.constant 0 : i32
    %dma_wait3A_212 = tpu.memref_slice %arg10[%dma_wait3A_210, %dma_wait3A_211] : memref<100x128xf32, #tpu.memory_space<vmem_shared>> -> memref<100x128xf32, #tpu.memory_space<vmem_shared>>
    tpu.wait_indirect_dma semaphore(%arg14 : memref<!tpu.dma_semaphore, #tpu.memory_space<semaphore_mem>>) src(%dma_wait3A_212 : memref<100x128xf32, #tpu.memory_space<vmem_shared>>) dst(%dma_wait3A_206 : memref<128x128xf32, #tpu.memory_space<vmem>>)
    %add3A_213 = arith.constant 0 : i32
    %add3A_214 = arith.addi %mul3A_2, %add3A_213 : i32
    %mul3A_215 = arith.constant 128 : i32
    %mul3A_216 = arith.muli %add3A_214, %mul3A_215 : i32
    %dma_start3A_217 = arith.constant 0 : i32
    %dma_start3A_218 = arith.constant 0 : i32
    %dma_start3A_219 = arith.constant 0 : i32
    %dma_start3A_220 = tpu.memref_slice %arg11[%dma_start3A_217, %dma_start3A_218, %dma_start3A_219] : memref<3x128x128xf32, #tpu.memory_space<vmem>> -> memref<1x128x128xf32, #tpu.memory_space<vmem>>
    %dma_start3A_221 = tpu.memref_squeeze %dma_start3A_220 : memref<1x128x128xf32, #tpu.memory_space<vmem>> -> memref<128x128xf32, #tpu.memory_space<vmem>>
    %dma_start3A_222 = arith.constant 0 : i32
    %dma_start3A_223 = tpu.memref_slice %arg6[%mul3A_216, %dma_start3A_222] : memref<16384x256xf32, #tpu.memory_space<hbm>> -> memref<128x128xf32, #tpu.memory_space<hbm>>
    %dma_start3A_224 = arith.constant 0 : i32
    %dma_start3A_225 = tpu.memref_slice %arg6[%mul3A_216, %dma_start3A_224] : memref<16384x256xf32, #tpu.memory_space<hbm>> -> memref<128x128xf32, #tpu.memory_space<hbm>>
    %dma_start3A_226 = arith.constant 0 : i32
    %dma_start3A_227 = arith.constant 0 : i32
    %dma_start3A_228 = tpu.memref_slice %arg11[%dma_start3A_217, %dma_start3A_226, %dma_start3A_227] : memref<3x128x128xf32, #tpu.memory_space<vmem>> -> memref<1x128x128xf32, #tpu.memory_space<vmem>>
    %dma_start3A_229 = tpu.memref_squeeze %dma_start3A_228 : memref<1x128x128xf32, #tpu.memory_space<vmem>> -> memref<128x128xf32, #tpu.memory_space<vmem>>
    tpu.enqueue_dma source(%dma_start3A_229 : memref<128x128xf32, #tpu.memory_space<vmem>>) target(%dma_start3A_225 : memref<128x128xf32, #tpu.memory_space<hbm>>) target_semaphore(%arg15 : memref<!tpu.dma_semaphore, #tpu.memory_space<semaphore_mem>>)
    %dma_start3A_230 = arith.constant 0 : i32
    %dma_start3A_231 = arith.constant 0 : i32
    %dma_start3A_232 = arith.constant 0 : i32
    %dma_start3A_233 = tpu.memref_slice %arg12[%dma_start3A_230, %dma_start3A_231, %dma_start3A_232] : memref<3x128x128xf32, #tpu.memory_space<vmem>> -> memref<1x128x128xf32, #tpu.memory_space<vmem>>
    %dma_start3A_234 = tpu.memref_squeeze %dma_start3A_233 : memref<1x128x128xf32, #tpu.memory_space<vmem>> -> memref<128x128xf32, #tpu.memory_space<vmem>>
    %dma_start3A_235 = arith.constant 128 : i32
    %dma_start3A_236 = tpu.memref_slice %arg6[%mul3A_216, %dma_start3A_235] : memref<16384x256xf32, #tpu.memory_space<hbm>> -> memref<128x128xf32, #tpu.memory_space<hbm>>
    %dma_start3A_237 = arith.constant 128 : i32
    %dma_start3A_238 = tpu.memref_slice %arg6[%mul3A_216, %dma_start3A_237] : memref<16384x256xf32, #tpu.memory_space<hbm>> -> memref<128x128xf32, #tpu.memory_space<hbm>>
    %dma_start3A_239 = arith.constant 0 : i32
    %dma_start3A_240 = arith.constant 0 : i32
    %dma_start3A_241 = tpu.memref_slice %arg12[%dma_start3A_230, %dma_start3A_239, %dma_start3A_240] : memref<3x128x128xf32, #tpu.memory_space<vmem>> -> memref<1x128x128xf32, #tpu.memory_space<vmem>>
    %dma_start3A_242 = tpu.memref_squeeze %dma_start3A_241 : memref<1x128x128xf32, #tpu.memory_space<vmem>> -> memref<128x128xf32, #tpu.memory_space<vmem>>
    tpu.enqueue_dma source(%dma_start3A_242 : memref<128x128xf32, #tpu.memory_space<vmem>>) target(%dma_start3A_238 : memref<128x128xf32, #tpu.memory_space<hbm>>) target_semaphore(%arg16 : memref<!tpu.dma_semaphore, #tpu.memory_space<semaphore_mem>>)
    %dma_start3A_243 = arith.constant 1 : i32
    %dma_start3A_244 = arith.constant 1 : i32
    %dma_start3A_245 = arith.constant 0 : i32
    %dma_start3A_246 = arith.constant 0 : i32
    %dma_start3A_247 = tpu.memref_slice %arg11[%dma_start3A_244, %dma_start3A_245, %dma_start3A_246] : memref<3x128x128xf32, #tpu.memory_space<vmem>> -> memref<1x128x128xf32, #tpu.memory_space<vmem>>
    %dma_start3A_248 = tpu.memref_squeeze %dma_start3A_247 : memref<1x128x128xf32, #tpu.memory_space<vmem>> -> memref<128x128xf32, #tpu.memory_space<vmem>>
    %dma_start3A_249 = arith.constant 0 : i32
    %dma_start3A_250 = tpu.memref_slice %arg7[%dma_start3A_243, %dma_start3A_249] : memref<4x128xi32, #tpu.memory_space<vmem>> -> memref<1x128xi32, #tpu.memory_space<vmem>>
    %dma_start3A_251 = tpu.memref_squeeze %dma_start3A_250 : memref<1x128xi32, #tpu.memory_space<vmem>> -> memref<128xi32, #tpu.memory_space<vmem>>
    %dma_start3A_252 = arith.constant 0 : i32
    %dma_start3A_253 = arith.constant 0 : i32
    %dma_start3A_254 = tpu.memref_slice %arg9[%dma_start3A_252, %dma_start3A_253] : memref<30x128xf32, #tpu.memory_space<vmem_shared>> -> memref<30x128xf32, #tpu.memory_space<vmem_shared>>
    tpu.enqueue_indirect_dma source(%dma_start3A_254 : memref<30x128xf32, #tpu.memory_space<vmem_shared>>) target(%dma_start3A_248 : memref<128x128xf32, #tpu.memory_space<vmem>>) offsets(%dma_start3A_251 : memref<128xi32, #tpu.memory_space<vmem>>) semaphore(%arg13 : memref<!tpu.dma_semaphore, #tpu.memory_space<semaphore_mem>>)
    %dma_start3A_255 = arith.constant 1 : i32
    %dma_start3A_256 = arith.constant 1 : i32
    %dma_start3A_257 = arith.constant 0 : i32
    %dma_start3A_258 = arith.constant 0 : i32
    %dma_start3A_259 = tpu.memref_slice %arg12[%dma_start3A_256, %dma_start3A_257, %dma_start3A_258] : memref<3x128x128xf32, #tpu.memory_space<vmem>> -> memref<1x128x128xf32, #tpu.memory_space<vmem>>
    %dma_start3A_260 = tpu.memref_squeeze %dma_start3A_259 : memref<1x128x128xf32, #tpu.memory_space<vmem>> -> memref<128x128xf32, #tpu.memory_space<vmem>>
    %dma_start3A_261 = arith.constant 0 : i32
    %dma_start3A_262 = tpu.memref_slice %arg8[%dma_start3A_255, %dma_start3A_261] : memref<4x128xi32, #tpu.memory_space<vmem>> -> memref<1x128xi32, #tpu.memory_space<vmem>>
    %dma_start3A_263 = tpu.memref_squeeze %dma_start3A_262 : memref<1x128xi32, #tpu.memory_space<vmem>> -> memref<128xi32, #tpu.memory_space<vmem>>
    %dma_start3A_264 = arith.constant 0 : i32
    %dma_start3A_265 = arith.constant 0 : i32
    %dma_start3A_266 = tpu.memref_slice %arg10[%dma_start3A_264, %dma_start3A_265] : memref<100x128xf32, #tpu.memory_space<vmem_shared>> -> memref<100x128xf32, #tpu.memory_space<vmem_shared>>
    tpu.enqueue_indirect_dma source(%dma_start3A_266 : memref<100x128xf32, #tpu.memory_space<vmem_shared>>) target(%dma_start3A_260 : memref<128x128xf32, #tpu.memory_space<vmem>>) offsets(%dma_start3A_263 : memref<128xi32, #tpu.memory_space<vmem>>) semaphore(%arg14 : memref<!tpu.dma_semaphore, #tpu.memory_space<semaphore_mem>>)
    %dma_wait3A_267 = arith.constant 1 : i32
    %dma_wait3A_268 = arith.constant 1 : i32
    %dma_wait3A_269 = arith.constant 0 : i32
    %dma_wait3A_270 = arith.constant 0 : i32
    %dma_wait3A_271 = tpu.memref_slice %arg11[%dma_wait3A_268, %dma_wait3A_269, %dma_wait3A_270] : memref<3x128x128xf32, #tpu.memory_space<vmem>> -> memref<1x128x128xf32, #tpu.memory_space<vmem>>
    %dma_wait3A_272 = tpu.memref_squeeze %dma_wait3A_271 : memref<1x128x128xf32, #tpu.memory_space<vmem>> -> memref<128x128xf32, #tpu.memory_space<vmem>>
    %dma_wait3A_273 = arith.constant 0 : i32
    %dma_wait3A_274 = tpu.memref_slice %arg7[%dma_wait3A_267, %dma_wait3A_273] : memref<4x128xi32, #tpu.memory_space<vmem>> -> memref<1x128xi32, #tpu.memory_space<vmem>>
    %dma_wait3A_275 = tpu.memref_squeeze %dma_wait3A_274 : memref<1x128xi32, #tpu.memory_space<vmem>> -> memref<128xi32, #tpu.memory_space<vmem>>
    %dma_wait3A_276 = arith.constant 0 : i32
    %dma_wait3A_277 = arith.constant 0 : i32
    %dma_wait3A_278 = tpu.memref_slice %arg9[%dma_wait3A_276, %dma_wait3A_277] : memref<30x128xf32, #tpu.memory_space<vmem_shared>> -> memref<30x128xf32, #tpu.memory_space<vmem_shared>>
    tpu.wait_indirect_dma semaphore(%arg13 : memref<!tpu.dma_semaphore, #tpu.memory_space<semaphore_mem>>) src(%dma_wait3A_278 : memref<30x128xf32, #tpu.memory_space<vmem_shared>>) dst(%dma_wait3A_272 : memref<128x128xf32, #tpu.memory_space<vmem>>)
    %dma_wait3A_279 = arith.constant 1 : i32
    %dma_wait3A_280 = arith.constant 1 : i32
    %dma_wait3A_281 = arith.constant 0 : i32
    %dma_wait3A_282 = arith.constant 0 : i32
    %dma_wait3A_283 = tpu.memref_slice %arg12[%dma_wait3A_280, %dma_wait3A_281, %dma_wait3A_282] : memref<3x128x128xf32, #tpu.memory_space<vmem>> -> memref<1x128x128xf32, #tpu.memory_space<vmem>>
    %dma_wait3A_284 = tpu.memref_squeeze %dma_wait3A_283 : memref<1x128x128xf32, #tpu.memory_space<vmem>> -> memref<128x128xf32, #tpu.memory_space<vmem>>
    %dma_wait3A_285 = arith.constant 0 : i32
    %dma_wait3A_286 = tpu.memref_slice %arg8[%dma_wait3A_279, %dma_wait3A_285] : memref<4x128xi32, #tpu.memory_space<vmem>> -> memref<1x128xi32, #tpu.memory_space<vmem>>
    %dma_wait3A_287 = tpu.memref_squeeze %dma_wait3A_286 : memref<1x128xi32, #tpu.memory_space<vmem>> -> memref<128xi32, #tpu.memory_space<vmem>>
    %dma_wait3A_288 = arith.constant 0 : i32
    %dma_wait3A_289 = arith.constant 0 : i32
    %dma_wait3A_290 = tpu.memref_slice %arg10[%dma_wait3A_288, %dma_wait3A_289] : memref<100x128xf32, #tpu.memory_space<vmem_shared>> -> memref<100x128xf32, #tpu.memory_space<vmem_shared>>
    tpu.wait_indirect_dma semaphore(%arg14 : memref<!tpu.dma_semaphore, #tpu.memory_space<semaphore_mem>>) src(%dma_wait3A_290 : memref<100x128xf32, #tpu.memory_space<vmem_shared>>) dst(%dma_wait3A_284 : memref<128x128xf32, #tpu.memory_space<vmem>>)
    %add3A_291 = arith.constant 1 : i32
    %add3A_292 = arith.addi %mul3A_2, %add3A_291 : i32
    %mul3A_293 = arith.constant 128 : i32
    %mul3A_294 = arith.muli %add3A_292, %mul3A_293 : i32
    %dma_start3A_295 = arith.constant 1 : i32
    %dma_start3A_296 = arith.constant 0 : i32
    %dma_start3A_297 = arith.constant 0 : i32
    %dma_start3A_298 = tpu.memref_slice %arg11[%dma_start3A_295, %dma_start3A_296, %dma_start3A_297] : memref<3x128x128xf32, #tpu.memory_space<vmem>> -> memref<1x128x128xf32, #tpu.memory_space<vmem>>
    %dma_start3A_299 = tpu.memref_squeeze %dma_start3A_298 : memref<1x128x128xf32, #tpu.memory_space<vmem>> -> memref<128x128xf32, #tpu.memory_space<vmem>>
    %dma_start3A_300 = arith.constant 0 : i32
    %dma_start3A_301 = tpu.memref_slice %arg6[%mul3A_294, %dma_start3A_300] : memref<16384x256xf32, #tpu.memory_space<hbm>> -> memref<128x128xf32, #tpu.memory_space<hbm>>
    %dma_start3A_302 = arith.constant 0 : i32
    %dma_start3A_303 = tpu.memref_slice %arg6[%mul3A_294, %dma_start3A_302] : memref<16384x256xf32, #tpu.memory_space<hbm>> -> memref<128x128xf32, #tpu.memory_space<hbm>>
    %dma_start3A_304 = arith.constant 0 : i32
    %dma_start3A_305 = arith.constant 0 : i32
    %dma_start3A_306 = tpu.memref_slice %arg11[%dma_start3A_295, %dma_start3A_304, %dma_start3A_305] : memref<3x128x128xf32, #tpu.memory_space<vmem>> -> memref<1x128x128xf32, #tpu.memory_space<vmem>>
    %dma_start3A_307 = tpu.memref_squeeze %dma_start3A_306 : memref<1x128x128xf32, #tpu.memory_space<vmem>> -> memref<128x128xf32, #tpu.memory_space<vmem>>
    tpu.enqueue_dma source(%dma_start3A_307 : memref<128x128xf32, #tpu.memory_space<vmem>>) target(%dma_start3A_303 : memref<128x128xf32, #tpu.memory_space<hbm>>) target_semaphore(%arg15 : memref<!tpu.dma_semaphore, #tpu.memory_space<semaphore_mem>>)
    %dma_start3A_308 = arith.constant 1 : i32
    %dma_start3A_309 = arith.constant 0 : i32
    %dma_start3A_310 = arith.constant 0 : i32
    %dma_start3A_311 = tpu.memref_slice %arg12[%dma_start3A_308, %dma_start3A_309, %dma_start3A_310] : memref<3x128x128xf32, #tpu.memory_space<vmem>> -> memref<1x128x128xf32, #tpu.memory_space<vmem>>
    %dma_start3A_312 = tpu.memref_squeeze %dma_start3A_311 : memref<1x128x128xf32, #tpu.memory_space<vmem>> -> memref<128x128xf32, #tpu.memory_space<vmem>>
    %dma_start3A_313 = arith.constant 128 : i32
    %dma_start3A_314 = tpu.memref_slice %arg6[%mul3A_294, %dma_start3A_313] : memref<16384x256xf32, #tpu.memory_space<hbm>> -> memref<128x128xf32, #tpu.memory_space<hbm>>
    %dma_start3A_315 = arith.constant 128 : i32
    %dma_start3A_316 = tpu.memref_slice %arg6[%mul3A_294, %dma_start3A_315] : memref<16384x256xf32, #tpu.memory_space<hbm>> -> memref<128x128xf32, #tpu.memory_space<hbm>>
    %dma_start3A_317 = arith.constant 0 : i32
    %dma_start3A_318 = arith.constant 0 : i32
    %dma_start3A_319 = tpu.memref_slice %arg12[%dma_start3A_308, %dma_start3A_317, %dma_start3A_318] : memref<3x128x128xf32, #tpu.memory_space<vmem>> -> memref<1x128x128xf32, #tpu.memory_space<vmem>>
    %dma_start3A_320 = tpu.memref_squeeze %dma_start3A_319 : memref<1x128x128xf32, #tpu.memory_space<vmem>> -> memref<128x128xf32, #tpu.memory_space<vmem>>
    tpu.enqueue_dma source(%dma_start3A_320 : memref<128x128xf32, #tpu.memory_space<vmem>>) target(%dma_start3A_316 : memref<128x128xf32, #tpu.memory_space<hbm>>) target_semaphore(%arg16 : memref<!tpu.dma_semaphore, #tpu.memory_space<semaphore_mem>>)
    %dma_start3A_321 = arith.constant 2 : i32
    %dma_start3A_322 = arith.constant 2 : i32
    %dma_start3A_323 = arith.constant 0 : i32
    %dma_start3A_324 = arith.constant 0 : i32
    %dma_start3A_325 = tpu.memref_slice %arg11[%dma_start3A_322, %dma_start3A_323, %dma_start3A_324] : memref<3x128x128xf32, #tpu.memory_space<vmem>> -> memref<1x128x128xf32, #tpu.memory_space<vmem>>
    %dma_start3A_326 = tpu.memref_squeeze %dma_start3A_325 : memref<1x128x128xf32, #tpu.memory_space<vmem>> -> memref<128x128xf32, #tpu.memory_space<vmem>>
    %dma_start3A_327 = arith.constant 0 : i32
    %dma_start3A_328 = tpu.memref_slice %arg7[%dma_start3A_321, %dma_start3A_327] : memref<4x128xi32, #tpu.memory_space<vmem>> -> memref<1x128xi32, #tpu.memory_space<vmem>>
    %dma_start3A_329 = tpu.memref_squeeze %dma_start3A_328 : memref<1x128xi32, #tpu.memory_space<vmem>> -> memref<128xi32, #tpu.memory_space<vmem>>
    %dma_start3A_330 = arith.constant 0 : i32
    %dma_start3A_331 = arith.constant 0 : i32
    %dma_start3A_332 = tpu.memref_slice %arg9[%dma_start3A_330, %dma_start3A_331] : memref<30x128xf32, #tpu.memory_space<vmem_shared>> -> memref<30x128xf32, #tpu.memory_space<vmem_shared>>
    tpu.enqueue_indirect_dma source(%dma_start3A_332 : memref<30x128xf32, #tpu.memory_space<vmem_shared>>) target(%dma_start3A_326 : memref<128x128xf32, #tpu.memory_space<vmem>>) offsets(%dma_start3A_329 : memref<128xi32, #tpu.memory_space<vmem>>) semaphore(%arg13 : memref<!tpu.dma_semaphore, #tpu.memory_space<semaphore_mem>>)
    %dma_start3A_333 = arith.constant 2 : i32
    %dma_start3A_334 = arith.constant 2 : i32
    %dma_start3A_335 = arith.constant 0 : i32
    %dma_start3A_336 = arith.constant 0 : i32
    %dma_start3A_337 = tpu.memref_slice %arg12[%dma_start3A_334, %dma_start3A_335, %dma_start3A_336] : memref<3x128x128xf32, #tpu.memory_space<vmem>> -> memref<1x128x128xf32, #tpu.memory_space<vmem>>
    %dma_start3A_338 = tpu.memref_squeeze %dma_start3A_337 : memref<1x128x128xf32, #tpu.memory_space<vmem>> -> memref<128x128xf32, #tpu.memory_space<vmem>>
    %dma_start3A_339 = arith.constant 0 : i32
    %dma_start3A_340 = tpu.memref_slice %arg8[%dma_start3A_333, %dma_start3A_339] : memref<4x128xi32, #tpu.memory_space<vmem>> -> memref<1x128xi32, #tpu.memory_space<vmem>>
    %dma_start3A_341 = tpu.memref_squeeze %dma_start3A_340 : memref<1x128xi32, #tpu.memory_space<vmem>> -> memref<128xi32, #tpu.memory_space<vmem>>
    %dma_start3A_342 = arith.constant 0 : i32
    %dma_start3A_343 = arith.constant 0 : i32
    %dma_start3A_344 = tpu.memref_slice %arg10[%dma_start3A_342, %dma_start3A_343] : memref<100x128xf32, #tpu.memory_space<vmem_shared>> -> memref<100x128xf32, #tpu.memory_space<vmem_shared>>
    tpu.enqueue_indirect_dma source(%dma_start3A_344 : memref<100x128xf32, #tpu.memory_space<vmem_shared>>) target(%dma_start3A_338 : memref<128x128xf32, #tpu.memory_space<vmem>>) offsets(%dma_start3A_341 : memref<128xi32, #tpu.memory_space<vmem>>) semaphore(%arg14 : memref<!tpu.dma_semaphore, #tpu.memory_space<semaphore_mem>>)
    %dma_wait3A_345 = arith.constant 2 : i32
    %dma_wait3A_346 = arith.constant 2 : i32
    %dma_wait3A_347 = arith.constant 0 : i32
    %dma_wait3A_348 = arith.constant 0 : i32
    %dma_wait3A_349 = tpu.memref_slice %arg11[%dma_wait3A_346, %dma_wait3A_347, %dma_wait3A_348] : memref<3x128x128xf32, #tpu.memory_space<vmem>> -> memref<1x128x128xf32, #tpu.memory_space<vmem>>
    %dma_wait3A_350 = tpu.memref_squeeze %dma_wait3A_349 : memref<1x128x128xf32, #tpu.memory_space<vmem>> -> memref<128x128xf32, #tpu.memory_space<vmem>>
    %dma_wait3A_351 = arith.constant 0 : i32
    %dma_wait3A_352 = tpu.memref_slice %arg7[%dma_wait3A_345, %dma_wait3A_351] : memref<4x128xi32, #tpu.memory_space<vmem>> -> memref<1x128xi32, #tpu.memory_space<vmem>>
    %dma_wait3A_353 = tpu.memref_squeeze %dma_wait3A_352 : memref<1x128xi32, #tpu.memory_space<vmem>> -> memref<128xi32, #tpu.memory_space<vmem>>
    %dma_wait3A_354 = arith.constant 0 : i32
    %dma_wait3A_355 = arith.constant 0 : i32
    %dma_wait3A_356 = tpu.memref_slice %arg9[%dma_wait3A_354, %dma_wait3A_355] : memref<30x128xf32, #tpu.memory_space<vmem_shared>> -> memref<30x128xf32, #tpu.memory_space<vmem_shared>>
    tpu.wait_indirect_dma semaphore(%arg13 : memref<!tpu.dma_semaphore, #tpu.memory_space<semaphore_mem>>) src(%dma_wait3A_356 : memref<30x128xf32, #tpu.memory_space<vmem_shared>>) dst(%dma_wait3A_350 : memref<128x128xf32, #tpu.memory_space<vmem>>)
    %dma_wait3A_357 = arith.constant 2 : i32
    %dma_wait3A_358 = arith.constant 2 : i32
    %dma_wait3A_359 = arith.constant 0 : i32
    %dma_wait3A_360 = arith.constant 0 : i32
    %dma_wait3A_361 = tpu.memref_slice %arg12[%dma_wait3A_358, %dma_wait3A_359, %dma_wait3A_360] : memref<3x128x128xf32, #tpu.memory_space<vmem>> -> memref<1x128x128xf32, #tpu.memory_space<vmem>>
    %dma_wait3A_362 = tpu.memref_squeeze %dma_wait3A_361 : memref<1x128x128xf32, #tpu.memory_space<vmem>> -> memref<128x128xf32, #tpu.memory_space<vmem>>
    %dma_wait3A_363 = arith.constant 0 : i32
    %dma_wait3A_364 = tpu.memref_slice %arg8[%dma_wait3A_357, %dma_wait3A_363] : memref<4x128xi32, #tpu.memory_space<vmem>> -> memref<1x128xi32, #tpu.memory_space<vmem>>
    %dma_wait3A_365 = tpu.memref_squeeze %dma_wait3A_364 : memref<1x128xi32, #tpu.memory_space<vmem>> -> memref<128xi32, #tpu.memory_space<vmem>>
    %dma_wait3A_366 = arith.constant 0 : i32
    %dma_wait3A_367 = arith.constant 0 : i32
    %dma_wait3A_368 = tpu.memref_slice %arg10[%dma_wait3A_366, %dma_wait3A_367] : memref<100x128xf32, #tpu.memory_space<vmem_shared>> -> memref<100x128xf32, #tpu.memory_space<vmem_shared>>
    tpu.wait_indirect_dma semaphore(%arg14 : memref<!tpu.dma_semaphore, #tpu.memory_space<semaphore_mem>>) src(%dma_wait3A_368 : memref<100x128xf32, #tpu.memory_space<vmem_shared>>) dst(%dma_wait3A_362 : memref<128x128xf32, #tpu.memory_space<vmem>>)
    %add3A_369 = arith.constant 2 : i32
    %add3A_370 = arith.addi %mul3A_2, %add3A_369 : i32
    %mul3A_371 = arith.constant 128 : i32
    %mul3A_372 = arith.muli %add3A_370, %mul3A_371 : i32
    %dma_start3A_373 = arith.constant 2 : i32
    %dma_start3A_374 = arith.constant 0 : i32
    %dma_start3A_375 = arith.constant 0 : i32
    %dma_start3A_376 = tpu.memref_slice %arg11[%dma_start3A_373, %dma_start3A_374, %dma_start3A_375] : memref<3x128x128xf32, #tpu.memory_space<vmem>> -> memref<1x128x128xf32, #tpu.memory_space<vmem>>
    %dma_start3A_377 = tpu.memref_squeeze %dma_start3A_376 : memref<1x128x128xf32, #tpu.memory_space<vmem>> -> memref<128x128xf32, #tpu.memory_space<vmem>>
    %dma_start3A_378 = arith.constant 0 : i32
    %dma_start3A_379 = tpu.memref_slice %arg6[%mul3A_372, %dma_start3A_378] : memref<16384x256xf32, #tpu.memory_space<hbm>> -> memref<128x128xf32, #tpu.memory_space<hbm>>
    %dma_start3A_380 = arith.constant 0 : i32
    %dma_start3A_381 = tpu.memref_slice %arg6[%mul3A_372, %dma_start3A_380] : memref<16384x256xf32, #tpu.memory_space<hbm>> -> memref<128x128xf32, #tpu.memory_space<hbm>>
    %dma_start3A_382 = arith.constant 0 : i32
    %dma_start3A_383 = arith.constant 0 : i32
    %dma_start3A_384 = tpu.memref_slice %arg11[%dma_start3A_373, %dma_start3A_382, %dma_start3A_383] : memref<3x128x128xf32, #tpu.memory_space<vmem>> -> memref<1x128x128xf32, #tpu.memory_space<vmem>>
    %dma_start3A_385 = tpu.memref_squeeze %dma_start3A_384 : memref<1x128x128xf32, #tpu.memory_space<vmem>> -> memref<128x128xf32, #tpu.memory_space<vmem>>
    tpu.enqueue_dma source(%dma_start3A_385 : memref<128x128xf32, #tpu.memory_space<vmem>>) target(%dma_start3A_381 : memref<128x128xf32, #tpu.memory_space<hbm>>) target_semaphore(%arg15 : memref<!tpu.dma_semaphore, #tpu.memory_space<semaphore_mem>>)
    %dma_start3A_386 = arith.constant 2 : i32
    %dma_start3A_387 = arith.constant 0 : i32
    %dma_start3A_388 = arith.constant 0 : i32
    %dma_start3A_389 = tpu.memref_slice %arg12[%dma_start3A_386, %dma_start3A_387, %dma_start3A_388] : memref<3x128x128xf32, #tpu.memory_space<vmem>> -> memref<1x128x128xf32, #tpu.memory_space<vmem>>
    %dma_start3A_390 = tpu.memref_squeeze %dma_start3A_389 : memref<1x128x128xf32, #tpu.memory_space<vmem>> -> memref<128x128xf32, #tpu.memory_space<vmem>>
    %dma_start3A_391 = arith.constant 128 : i32
    %dma_start3A_392 = tpu.memref_slice %arg6[%mul3A_372, %dma_start3A_391] : memref<16384x256xf32, #tpu.memory_space<hbm>> -> memref<128x128xf32, #tpu.memory_space<hbm>>
    %dma_start3A_393 = arith.constant 128 : i32
    %dma_start3A_394 = tpu.memref_slice %arg6[%mul3A_372, %dma_start3A_393] : memref<16384x256xf32, #tpu.memory_space<hbm>> -> memref<128x128xf32, #tpu.memory_space<hbm>>
    %dma_start3A_395 = arith.constant 0 : i32
    %dma_start3A_396 = arith.constant 0 : i32
    %dma_start3A_397 = tpu.memref_slice %arg12[%dma_start3A_386, %dma_start3A_395, %dma_start3A_396] : memref<3x128x128xf32, #tpu.memory_space<vmem>> -> memref<1x128x128xf32, #tpu.memory_space<vmem>>
    %dma_start3A_398 = tpu.memref_squeeze %dma_start3A_397 : memref<1x128x128xf32, #tpu.memory_space<vmem>> -> memref<128x128xf32, #tpu.memory_space<vmem>>
    tpu.enqueue_dma source(%dma_start3A_398 : memref<128x128xf32, #tpu.memory_space<vmem>>) target(%dma_start3A_394 : memref<128x128xf32, #tpu.memory_space<hbm>>) target_semaphore(%arg16 : memref<!tpu.dma_semaphore, #tpu.memory_space<semaphore_mem>>)
    %dma_wait3A_399 = arith.constant 0 : i32
    %dma_wait3A_400 = arith.constant 0 : i32
    %dma_wait3A_401 = arith.constant 0 : i32
    %dma_wait3A_402 = tpu.memref_slice %arg11[%dma_wait3A_399, %dma_wait3A_400, %dma_wait3A_401] : memref<3x128x128xf32, #tpu.memory_space<vmem>> -> memref<1x128x128xf32, #tpu.memory_space<vmem>>
    %dma_wait3A_403 = tpu.memref_squeeze %dma_wait3A_402 : memref<1x128x128xf32, #tpu.memory_space<vmem>> -> memref<128x128xf32, #tpu.memory_space<vmem>>
    %dma_wait3A_404 = arith.constant 0 : i32
    %dma_wait3A_405 = tpu.memref_slice %arg6[%mul3A_216, %dma_wait3A_404] : memref<16384x256xf32, #tpu.memory_space<hbm>> -> memref<128x128xf32, #tpu.memory_space<hbm>>
    %dma_wait3A_406 = arith.constant 0 : i32
    %dma_wait3A_407 = tpu.memref_slice %arg6[%mul3A_216, %dma_wait3A_406] : memref<16384x256xf32, #tpu.memory_space<hbm>> -> memref<128x128xf32, #tpu.memory_space<hbm>>
    %dma_wait3A_408 = arith.constant 0 : i32
    %dma_wait3A_409 = arith.constant 0 : i32
    %dma_wait3A_410 = tpu.memref_slice %arg11[%dma_wait3A_399, %dma_wait3A_408, %dma_wait3A_409] : memref<3x128x128xf32, #tpu.memory_space<vmem>> -> memref<1x128x128xf32, #tpu.memory_space<vmem>>
    %dma_wait3A_411 = tpu.memref_squeeze %dma_wait3A_410 : memref<1x128x128xf32, #tpu.memory_space<vmem>> -> memref<128x128xf32, #tpu.memory_space<vmem>>
    tpu.wait_dma2 semaphore(%arg15 : memref<!tpu.dma_semaphore, #tpu.memory_space<semaphore_mem>>) src(%dma_wait3A_411 : memref<128x128xf32, #tpu.memory_space<vmem>>) dst(%dma_wait3A_407 : memref<128x128xf32, #tpu.memory_space<hbm>>)
    %dma_wait3A_412 = arith.constant 0 : i32
    %dma_wait3A_413 = arith.constant 0 : i32
    %dma_wait3A_414 = arith.constant 0 : i32
    %dma_wait3A_415 = tpu.memref_slice %arg12[%dma_wait3A_412, %dma_wait3A_413, %dma_wait3A_414] : memref<3x128x128xf32, #tpu.memory_space<vmem>> -> memref<1x128x128xf32, #tpu.memory_space<vmem>>
    %dma_wait3A_416 = tpu.memref_squeeze %dma_wait3A_415 : memref<1x128x128xf32, #tpu.memory_space<vmem>> -> memref<128x128xf32, #tpu.memory_space<vmem>>
    %dma_wait3A_417 = arith.constant 128 : i32
    %dma_wait3A_418 = tpu.memref_slice %arg6[%mul3A_216, %dma_wait3A_417] : memref<16384x256xf32, #tpu.memory_space<hbm>> -> memref<128x128xf32, #tpu.memory_space<hbm>>
    %dma_wait3A_419 = arith.constant 128 : i32
    %dma_wait3A_420 = tpu.memref_slice %arg6[%mul3A_216, %dma_wait3A_419] : memref<16384x256xf32, #tpu.memory_space<hbm>> -> memref<128x128xf32, #tpu.memory_space<hbm>>
    %dma_wait3A_421 = arith.constant 0 : i32
    %dma_wait3A_422 = arith.constant 0 : i32
    %dma_wait3A_423 = tpu.memref_slice %arg12[%dma_wait3A_412, %dma_wait3A_421, %dma_wait3A_422] : memref<3x128x128xf32, #tpu.memory_space<vmem>> -> memref<1x128x128xf32, #tpu.memory_space<vmem>>
    %dma_wait3A_424 = tpu.memref_squeeze %dma_wait3A_423 : memref<1x128x128xf32, #tpu.memory_space<vmem>> -> memref<128x128xf32, #tpu.memory_space<vmem>>
    tpu.wait_dma2 semaphore(%arg16 : memref<!tpu.dma_semaphore, #tpu.memory_space<semaphore_mem>>) src(%dma_wait3A_424 : memref<128x128xf32, #tpu.memory_space<vmem>>) dst(%dma_wait3A_420 : memref<128x128xf32, #tpu.memory_space<hbm>>)
    %dma_start3A_425 = arith.constant 3 : i32
    %dma_start3A_426 = arith.constant 0 : i32
    %dma_start3A_427 = arith.constant 0 : i32
    %dma_start3A_428 = arith.constant 0 : i32
    %dma_start3A_429 = tpu.memref_slice %arg11[%dma_start3A_426, %dma_start3A_427, %dma_start3A_428] : memref<3x128x128xf32, #tpu.memory_space<vmem>> -> memref<1x128x128xf32, #tpu.memory_space<vmem>>
    %dma_start3A_430 = tpu.memref_squeeze %dma_start3A_429 : memref<1x128x128xf32, #tpu.memory_space<vmem>> -> memref<128x128xf32, #tpu.memory_space<vmem>>
    %dma_start3A_431 = arith.constant 0 : i32
    %dma_start3A_432 = tpu.memref_slice %arg7[%dma_start3A_425, %dma_start3A_431] : memref<4x128xi32, #tpu.memory_space<vmem>> -> memref<1x128xi32, #tpu.memory_space<vmem>>
    %dma_start3A_433 = tpu.memref_squeeze %dma_start3A_432 : memref<1x128xi32, #tpu.memory_space<vmem>> -> memref<128xi32, #tpu.memory_space<vmem>>
    %dma_start3A_434 = arith.constant 0 : i32
    %dma_start3A_435 = arith.constant 0 : i32
    %dma_start3A_436 = tpu.memref_slice %arg9[%dma_start3A_434, %dma_start3A_435] : memref<30x128xf32, #tpu.memory_space<vmem_shared>> -> memref<30x128xf32, #tpu.memory_space<vmem_shared>>
    tpu.enqueue_indirect_dma source(%dma_start3A_436 : memref<30x128xf32, #tpu.memory_space<vmem_shared>>) target(%dma_start3A_430 : memref<128x128xf32, #tpu.memory_space<vmem>>) offsets(%dma_start3A_433 : memref<128xi32, #tpu.memory_space<vmem>>) semaphore(%arg13 : memref<!tpu.dma_semaphore, #tpu.memory_space<semaphore_mem>>)
    %dma_start3A_437 = arith.constant 3 : i32
    %dma_start3A_438 = arith.constant 0 : i32
    %dma_start3A_439 = arith.constant 0 : i32
    %dma_start3A_440 = arith.constant 0 : i32
    %dma_start3A_441 = tpu.memref_slice %arg12[%dma_start3A_438, %dma_start3A_439, %dma_start3A_440] : memref<3x128x128xf32, #tpu.memory_space<vmem>> -> memref<1x128x128xf32, #tpu.memory_space<vmem>>
    %dma_start3A_442 = tpu.memref_squeeze %dma_start3A_441 : memref<1x128x128xf32, #tpu.memory_space<vmem>> -> memref<128x128xf32, #tpu.memory_space<vmem>>
    %dma_start3A_443 = arith.constant 0 : i32
    %dma_start3A_444 = tpu.memref_slice %arg8[%dma_start3A_437, %dma_start3A_443] : memref<4x128xi32, #tpu.memory_space<vmem>> -> memref<1x128xi32, #tpu.memory_space<vmem>>
    %dma_start3A_445 = tpu.memref_squeeze %dma_start3A_444 : memref<1x128xi32, #tpu.memory_space<vmem>> -> memref<128xi32, #tpu.memory_space<vmem>>
    %dma_start3A_446 = arith.constant 0 : i32
    %dma_start3A_447 = arith.constant 0 : i32
    %dma_start3A_448 = tpu.memref_slice %arg10[%dma_start3A_446, %dma_start3A_447] : memref<100x128xf32, #tpu.memory_space<vmem_shared>> -> memref<100x128xf32, #tpu.memory_space<vmem_shared>>
    tpu.enqueue_indirect_dma source(%dma_start3A_448 : memref<100x128xf32, #tpu.memory_space<vmem_shared>>) target(%dma_start3A_442 : memref<128x128xf32, #tpu.memory_space<vmem>>) offsets(%dma_start3A_445 : memref<128xi32, #tpu.memory_space<vmem>>) semaphore(%arg14 : memref<!tpu.dma_semaphore, #tpu.memory_space<semaphore_mem>>)
    %dma_wait3A_449 = arith.constant 3 : i32
    %dma_wait3A_450 = arith.constant 0 : i32
    %dma_wait3A_451 = arith.constant 0 : i32
    %dma_wait3A_452 = arith.constant 0 : i32
    %dma_wait3A_453 = tpu.memref_slice %arg11[%dma_wait3A_450, %dma_wait3A_451, %dma_wait3A_452] : memref<3x128x128xf32, #tpu.memory_space<vmem>> -> memref<1x128x128xf32, #tpu.memory_space<vmem>>
    %dma_wait3A_454 = tpu.memref_squeeze %dma_wait3A_453 : memref<1x128x128xf32, #tpu.memory_space<vmem>> -> memref<128x128xf32, #tpu.memory_space<vmem>>
    %dma_wait3A_455 = arith.constant 0 : i32
    %dma_wait3A_456 = tpu.memref_slice %arg7[%dma_wait3A_449, %dma_wait3A_455] : memref<4x128xi32, #tpu.memory_space<vmem>> -> memref<1x128xi32, #tpu.memory_space<vmem>>
    %dma_wait3A_457 = tpu.memref_squeeze %dma_wait3A_456 : memref<1x128xi32, #tpu.memory_space<vmem>> -> memref<128xi32, #tpu.memory_space<vmem>>
    %dma_wait3A_458 = arith.constant 0 : i32
    %dma_wait3A_459 = arith.constant 0 : i32
    %dma_wait3A_460 = tpu.memref_slice %arg9[%dma_wait3A_458, %dma_wait3A_459] : memref<30x128xf32, #tpu.memory_space<vmem_shared>> -> memref<30x128xf32, #tpu.memory_space<vmem_shared>>
    tpu.wait_indirect_dma semaphore(%arg13 : memref<!tpu.dma_semaphore, #tpu.memory_space<semaphore_mem>>) src(%dma_wait3A_460 : memref<30x128xf32, #tpu.memory_space<vmem_shared>>) dst(%dma_wait3A_454 : memref<128x128xf32, #tpu.memory_space<vmem>>)
    %dma_wait3A_461 = arith.constant 3 : i32
    %dma_wait3A_462 = arith.constant 0 : i32
    %dma_wait3A_463 = arith.constant 0 : i32
    %dma_wait3A_464 = arith.constant 0 : i32
    %dma_wait3A_465 = tpu.memref_slice %arg12[%dma_wait3A_462, %dma_wait3A_463, %dma_wait3A_464] : memref<3x128x128xf32, #tpu.memory_space<vmem>> -> memref<1x128x128xf32, #tpu.memory_space<vmem>>
    %dma_wait3A_466 = tpu.memref_squeeze %dma_wait3A_465 : memref<1x128x128xf32, #tpu.memory_space<vmem>> -> memref<128x128xf32, #tpu.memory_space<vmem>>
    %dma_wait3A_467 = arith.constant 0 : i32
    %dma_wait3A_468 = tpu.memref_slice %arg8[%dma_wait3A_461, %dma_wait3A_467] : memref<4x128xi32, #tpu.memory_space<vmem>> -> memref<1x128xi32, #tpu.memory_space<vmem>>
    %dma_wait3A_469 = tpu.memref_squeeze %dma_wait3A_468 : memref<1x128xi32, #tpu.memory_space<vmem>> -> memref<128xi32, #tpu.memory_space<vmem>>
    %dma_wait3A_470 = arith.constant 0 : i32
    %dma_wait3A_471 = arith.constant 0 : i32
    %dma_wait3A_472 = tpu.memref_slice %arg10[%dma_wait3A_470, %dma_wait3A_471] : memref<100x128xf32, #tpu.memory_space<vmem_shared>> -> memref<100x128xf32, #tpu.memory_space<vmem_shared>>
    tpu.wait_indirect_dma semaphore(%arg14 : memref<!tpu.dma_semaphore, #tpu.memory_space<semaphore_mem>>) src(%dma_wait3A_472 : memref<100x128xf32, #tpu.memory_space<vmem_shared>>) dst(%dma_wait3A_466 : memref<128x128xf32, #tpu.memory_space<vmem>>)
    %add3A_473 = arith.constant 3 : i32
    %add3A_474 = arith.addi %mul3A_2, %add3A_473 : i32
    %mul3A_475 = arith.constant 128 : i32
    %mul3A_476 = arith.muli %add3A_474, %mul3A_475 : i32
    %dma_start3A_477 = arith.constant 0 : i32
    %dma_start3A_478 = arith.constant 0 : i32
    %dma_start3A_479 = arith.constant 0 : i32
    %dma_start3A_480 = tpu.memref_slice %arg11[%dma_start3A_477, %dma_start3A_478, %dma_start3A_479] : memref<3x128x128xf32, #tpu.memory_space<vmem>> -> memref<1x128x128xf32, #tpu.memory_space<vmem>>
    %dma_start3A_481 = tpu.memref_squeeze %dma_start3A_480 : memref<1x128x128xf32, #tpu.memory_space<vmem>> -> memref<128x128xf32, #tpu.memory_space<vmem>>
    %dma_start3A_482 = arith.constant 0 : i32
    %dma_start3A_483 = tpu.memref_slice %arg6[%mul3A_476, %dma_start3A_482] : memref<16384x256xf32, #tpu.memory_space<hbm>> -> memref<128x128xf32, #tpu.memory_space<hbm>>
    %dma_start3A_484 = arith.constant 0 : i32
    %dma_start3A_485 = tpu.memref_slice %arg6[%mul3A_476, %dma_start3A_484] : memref<16384x256xf32, #tpu.memory_space<hbm>> -> memref<128x128xf32, #tpu.memory_space<hbm>>
    %dma_start3A_486 = arith.constant 0 : i32
    %dma_start3A_487 = arith.constant 0 : i32
    %dma_start3A_488 = tpu.memref_slice %arg11[%dma_start3A_477, %dma_start3A_486, %dma_start3A_487] : memref<3x128x128xf32, #tpu.memory_space<vmem>> -> memref<1x128x128xf32, #tpu.memory_space<vmem>>
    %dma_start3A_489 = tpu.memref_squeeze %dma_start3A_488 : memref<1x128x128xf32, #tpu.memory_space<vmem>> -> memref<128x128xf32, #tpu.memory_space<vmem>>
    tpu.enqueue_dma source(%dma_start3A_489 : memref<128x128xf32, #tpu.memory_space<vmem>>) target(%dma_start3A_485 : memref<128x128xf32, #tpu.memory_space<hbm>>) target_semaphore(%arg15 : memref<!tpu.dma_semaphore, #tpu.memory_space<semaphore_mem>>)
    %dma_start3A_490 = arith.constant 0 : i32
    %dma_start3A_491 = arith.constant 0 : i32
    %dma_start3A_492 = arith.constant 0 : i32
    %dma_start3A_493 = tpu.memref_slice %arg12[%dma_start3A_490, %dma_start3A_491, %dma_start3A_492] : memref<3x128x128xf32, #tpu.memory_space<vmem>> -> memref<1x128x128xf32, #tpu.memory_space<vmem>>
    %dma_start3A_494 = tpu.memref_squeeze %dma_start3A_493 : memref<1x128x128xf32, #tpu.memory_space<vmem>> -> memref<128x128xf32, #tpu.memory_space<vmem>>
    %dma_start3A_495 = arith.constant 128 : i32
    %dma_start3A_496 = tpu.memref_slice %arg6[%mul3A_476, %dma_start3A_495] : memref<16384x256xf32, #tpu.memory_space<hbm>> -> memref<128x128xf32, #tpu.memory_space<hbm>>
    %dma_start3A_497 = arith.constant 128 : i32
    %dma_start3A_498 = tpu.memref_slice %arg6[%mul3A_476, %dma_start3A_497] : memref<16384x256xf32, #tpu.memory_space<hbm>> -> memref<128x128xf32, #tpu.memory_space<hbm>>
    %dma_start3A_499 = arith.constant 0 : i32
    %dma_start3A_500 = arith.constant 0 : i32
    %dma_start3A_501 = tpu.memref_slice %arg12[%dma_start3A_490, %dma_start3A_499, %dma_start3A_500] : memref<3x128x128xf32, #tpu.memory_space<vmem>> -> memref<1x128x128xf32, #tpu.memory_space<vmem>>
    %dma_start3A_502 = tpu.memref_squeeze %dma_start3A_501 : memref<1x128x128xf32, #tpu.memory_space<vmem>> -> memref<128x128xf32, #tpu.memory_space<vmem>>
    tpu.enqueue_dma source(%dma_start3A_502 : memref<128x128xf32, #tpu.memory_space<vmem>>) target(%dma_start3A_498 : memref<128x128xf32, #tpu.memory_space<hbm>>) target_semaphore(%arg16 : memref<!tpu.dma_semaphore, #tpu.memory_space<semaphore_mem>>)
    %dma_wait3A_503 = arith.constant 1 : i32
    %dma_wait3A_504 = arith.constant 0 : i32
    %dma_wait3A_505 = arith.constant 0 : i32
    %dma_wait3A_506 = tpu.memref_slice %arg11[%dma_wait3A_503, %dma_wait3A_504, %dma_wait3A_505] : memref<3x128x128xf32, #tpu.memory_space<vmem>> -> memref<1x128x128xf32, #tpu.memory_space<vmem>>
    %dma_wait3A_507 = tpu.memref_squeeze %dma_wait3A_506 : memref<1x128x128xf32, #tpu.memory_space<vmem>> -> memref<128x128xf32, #tpu.memory_space<vmem>>
    %dma_wait3A_508 = arith.constant 0 : i32
    %dma_wait3A_509 = tpu.memref_slice %arg6[%mul3A_294, %dma_wait3A_508] : memref<16384x256xf32, #tpu.memory_space<hbm>> -> memref<128x128xf32, #tpu.memory_space<hbm>>
    %dma_wait3A_510 = arith.constant 0 : i32
    %dma_wait3A_511 = tpu.memref_slice %arg6[%mul3A_294, %dma_wait3A_510] : memref<16384x256xf32, #tpu.memory_space<hbm>> -> memref<128x128xf32, #tpu.memory_space<hbm>>
    %dma_wait3A_512 = arith.constant 0 : i32
    %dma_wait3A_513 = arith.constant 0 : i32
    %dma_wait3A_514 = tpu.memref_slice %arg11[%dma_wait3A_503, %dma_wait3A_512, %dma_wait3A_513] : memref<3x128x128xf32, #tpu.memory_space<vmem>> -> memref<1x128x128xf32, #tpu.memory_space<vmem>>
    %dma_wait3A_515 = tpu.memref_squeeze %dma_wait3A_514 : memref<1x128x128xf32, #tpu.memory_space<vmem>> -> memref<128x128xf32, #tpu.memory_space<vmem>>
    tpu.wait_dma2 semaphore(%arg15 : memref<!tpu.dma_semaphore, #tpu.memory_space<semaphore_mem>>) src(%dma_wait3A_515 : memref<128x128xf32, #tpu.memory_space<vmem>>) dst(%dma_wait3A_511 : memref<128x128xf32, #tpu.memory_space<hbm>>)
    %dma_wait3A_516 = arith.constant 1 : i32
    %dma_wait3A_517 = arith.constant 0 : i32
    %dma_wait3A_518 = arith.constant 0 : i32
    %dma_wait3A_519 = tpu.memref_slice %arg12[%dma_wait3A_516, %dma_wait3A_517, %dma_wait3A_518] : memref<3x128x128xf32, #tpu.memory_space<vmem>> -> memref<1x128x128xf32, #tpu.memory_space<vmem>>
    %dma_wait3A_520 = tpu.memref_squeeze %dma_wait3A_519 : memref<1x128x128xf32, #tpu.memory_space<vmem>> -> memref<128x128xf32, #tpu.memory_space<vmem>>
    %dma_wait3A_521 = arith.constant 128 : i32
    %dma_wait3A_522 = tpu.memref_slice %arg6[%mul3A_294, %dma_wait3A_521] : memref<16384x256xf32, #tpu.memory_space<hbm>> -> memref<128x128xf32, #tpu.memory_space<hbm>>
    %dma_wait3A_523 = arith.constant 128 : i32
    %dma_wait3A_524 = tpu.memref_slice %arg6[%mul3A_294, %dma_wait3A_523] : memref<16384x256xf32, #tpu.memory_space<hbm>> -> memref<128x128xf32, #tpu.memory_space<hbm>>
    %dma_wait3A_525 = arith.constant 0 : i32
    %dma_wait3A_526 = arith.constant 0 : i32
    %dma_wait3A_527 = tpu.memref_slice %arg12[%dma_wait3A_516, %dma_wait3A_525, %dma_wait3A_526] : memref<3x128x128xf32, #tpu.memory_space<vmem>> -> memref<1x128x128xf32, #tpu.memory_space<vmem>>
    %dma_wait3A_528 = tpu.memref_squeeze %dma_wait3A_527 : memref<1x128x128xf32, #tpu.memory_space<vmem>> -> memref<128x128xf32, #tpu.memory_space<vmem>>
    tpu.wait_dma2 semaphore(%arg16 : memref<!tpu.dma_semaphore, #tpu.memory_space<semaphore_mem>>) src(%dma_wait3A_528 : memref<128x128xf32, #tpu.memory_space<vmem>>) dst(%dma_wait3A_524 : memref<128x128xf32, #tpu.memory_space<hbm>>)
    %dma_wait3A_529 = arith.constant 2 : i32
    %dma_wait3A_530 = arith.constant 0 : i32
    %dma_wait3A_531 = arith.constant 0 : i32
    %dma_wait3A_532 = tpu.memref_slice %arg11[%dma_wait3A_529, %dma_wait3A_530, %dma_wait3A_531] : memref<3x128x128xf32, #tpu.memory_space<vmem>> -> memref<1x128x128xf32, #tpu.memory_space<vmem>>
    %dma_wait3A_533 = tpu.memref_squeeze %dma_wait3A_532 : memref<1x128x128xf32, #tpu.memory_space<vmem>> -> memref<128x128xf32, #tpu.memory_space<vmem>>
    %dma_wait3A_534 = arith.constant 0 : i32
    %dma_wait3A_535 = tpu.memref_slice %arg6[%mul3A_372, %dma_wait3A_534] : memref<16384x256xf32, #tpu.memory_space<hbm>> -> memref<128x128xf32, #tpu.memory_space<hbm>>
    %dma_wait3A_536 = arith.constant 0 : i32
    %dma_wait3A_537 = tpu.memref_slice %arg6[%mul3A_372, %dma_wait3A_536] : memref<16384x256xf32, #tpu.memory_space<hbm>> -> memref<128x128xf32, #tpu.memory_space<hbm>>
    %dma_wait3A_538 = arith.constant 0 : i32
    %dma_wait3A_539 = arith.constant 0 : i32
    %dma_wait3A_540 = tpu.memref_slice %arg11[%dma_wait3A_529, %dma_wait3A_538, %dma_wait3A_539] : memref<3x128x128xf32, #tpu.memory_space<vmem>> -> memref<1x128x128xf32, #tpu.memory_space<vmem>>
    %dma_wait3A_541 = tpu.memref_squeeze %dma_wait3A_540 : memref<1x128x128xf32, #tpu.memory_space<vmem>> -> memref<128x128xf32, #tpu.memory_space<vmem>>
    tpu.wait_dma2 semaphore(%arg15 : memref<!tpu.dma_semaphore, #tpu.memory_space<semaphore_mem>>) src(%dma_wait3A_541 : memref<128x128xf32, #tpu.memory_space<vmem>>) dst(%dma_wait3A_537 : memref<128x128xf32, #tpu.memory_space<hbm>>)
    %dma_wait3A_542 = arith.constant 2 : i32
    %dma_wait3A_543 = arith.constant 0 : i32
    %dma_wait3A_544 = arith.constant 0 : i32
    %dma_wait3A_545 = tpu.memref_slice %arg12[%dma_wait3A_542, %dma_wait3A_543, %dma_wait3A_544] : memref<3x128x128xf32, #tpu.memory_space<vmem>> -> memref<1x128x128xf32, #tpu.memory_space<vmem>>
    %dma_wait3A_546 = tpu.memref_squeeze %dma_wait3A_545 : memref<1x128x128xf32, #tpu.memory_space<vmem>> -> memref<128x128xf32, #tpu.memory_space<vmem>>
    %dma_wait3A_547 = arith.constant 128 : i32
    %dma_wait3A_548 = tpu.memref_slice %arg6[%mul3A_372, %dma_wait3A_547] : memref<16384x256xf32, #tpu.memory_space<hbm>> -> memref<128x128xf32, #tpu.memory_space<hbm>>
    %dma_wait3A_549 = arith.constant 128 : i32
    %dma_wait3A_550 = tpu.memref_slice %arg6[%mul3A_372, %dma_wait3A_549] : memref<16384x256xf32, #tpu.memory_space<hbm>> -> memref<128x128xf32, #tpu.memory_space<hbm>>
    %dma_wait3A_551 = arith.constant 0 : i32
    %dma_wait3A_552 = arith.constant 0 : i32
    %dma_wait3A_553 = tpu.memref_slice %arg12[%dma_wait3A_542, %dma_wait3A_551, %dma_wait3A_552] : memref<3x128x128xf32, #tpu.memory_space<vmem>> -> memref<1x128x128xf32, #tpu.memory_space<vmem>>
    %dma_wait3A_554 = tpu.memref_squeeze %dma_wait3A_553 : memref<1x128x128xf32, #tpu.memory_space<vmem>> -> memref<128x128xf32, #tpu.memory_space<vmem>>
    tpu.wait_dma2 semaphore(%arg16 : memref<!tpu.dma_semaphore, #tpu.memory_space<semaphore_mem>>) src(%dma_wait3A_554 : memref<128x128xf32, #tpu.memory_space<vmem>>) dst(%dma_wait3A_550 : memref<128x128xf32, #tpu.memory_space<hbm>>)
    %dma_wait3A_555 = arith.constant 0 : i32
    %dma_wait3A_556 = arith.constant 0 : i32
    %dma_wait3A_557 = arith.constant 0 : i32
    %dma_wait3A_558 = tpu.memref_slice %arg11[%dma_wait3A_555, %dma_wait3A_556, %dma_wait3A_557] : memref<3x128x128xf32, #tpu.memory_space<vmem>> -> memref<1x128x128xf32, #tpu.memory_space<vmem>>
    %dma_wait3A_559 = tpu.memref_squeeze %dma_wait3A_558 : memref<1x128x128xf32, #tpu.memory_space<vmem>> -> memref<128x128xf32, #tpu.memory_space<vmem>>
    %dma_wait3A_560 = arith.constant 0 : i32
    %dma_wait3A_561 = tpu.memref_slice %arg6[%mul3A_476, %dma_wait3A_560] : memref<16384x256xf32, #tpu.memory_space<hbm>> -> memref<128x128xf32, #tpu.memory_space<hbm>>
    %dma_wait3A_562 = arith.constant 0 : i32
    %dma_wait3A_563 = tpu.memref_slice %arg6[%mul3A_476, %dma_wait3A_562] : memref<16384x256xf32, #tpu.memory_space<hbm>> -> memref<128x128xf32, #tpu.memory_space<hbm>>
    %dma_wait3A_564 = arith.constant 0 : i32
    %dma_wait3A_565 = arith.constant 0 : i32
    %dma_wait3A_566 = tpu.memref_slice %arg11[%dma_wait3A_555, %dma_wait3A_564, %dma_wait3A_565] : memref<3x128x128xf32, #tpu.memory_space<vmem>> -> memref<1x128x128xf32, #tpu.memory_space<vmem>>
    %dma_wait3A_567 = tpu.memref_squeeze %dma_wait3A_566 : memref<1x128x128xf32, #tpu.memory_space<vmem>> -> memref<128x128xf32, #tpu.memory_space<vmem>>
    tpu.wait_dma2 semaphore(%arg15 : memref<!tpu.dma_semaphore, #tpu.memory_space<semaphore_mem>>) src(%dma_wait3A_567 : memref<128x128xf32, #tpu.memory_space<vmem>>) dst(%dma_wait3A_563 : memref<128x128xf32, #tpu.memory_space<hbm>>)
    %dma_wait3A_568 = arith.constant 0 : i32
    %dma_wait3A_569 = arith.constant 0 : i32
    %dma_wait3A_570 = arith.constant 0 : i32
    %dma_wait3A_571 = tpu.memref_slice %arg12[%dma_wait3A_568, %dma_wait3A_569, %dma_wait3A_570] : memref<3x128x128xf32, #tpu.memory_space<vmem>> -> memref<1x128x128xf32, #tpu.memory_space<vmem>>
    %dma_wait3A_572 = tpu.memref_squeeze %dma_wait3A_571 : memref<1x128x128xf32, #tpu.memory_space<vmem>> -> memref<128x128xf32, #tpu.memory_space<vmem>>
    %dma_wait3A_573 = arith.constant 128 : i32
    %dma_wait3A_574 = tpu.memref_slice %arg6[%mul3A_476, %dma_wait3A_573] : memref<16384x256xf32, #tpu.memory_space<hbm>> -> memref<128x128xf32, #tpu.memory_space<hbm>>
    %dma_wait3A_575 = arith.constant 128 : i32
    %dma_wait3A_576 = tpu.memref_slice %arg6[%mul3A_476, %dma_wait3A_575] : memref<16384x256xf32, #tpu.memory_space<hbm>> -> memref<128x128xf32, #tpu.memory_space<hbm>>
    %dma_wait3A_577 = arith.constant 0 : i32
    %dma_wait3A_578 = arith.constant 0 : i32
    %dma_wait3A_579 = tpu.memref_slice %arg12[%dma_wait3A_568, %dma_wait3A_577, %dma_wait3A_578] : memref<3x128x128xf32, #tpu.memory_space<vmem>> -> memref<1x128x128xf32, #tpu.memory_space<vmem>>
    %dma_wait3A_580 = tpu.memref_squeeze %dma_wait3A_579 : memref<1x128x128xf32, #tpu.memory_space<vmem>> -> memref<128x128xf32, #tpu.memory_space<vmem>>
    tpu.wait_dma2 semaphore(%arg16 : memref<!tpu.dma_semaphore, #tpu.memory_space<semaphore_mem>>) src(%dma_wait3A_580 : memref<128x128xf32, #tpu.memory_space<vmem>>) dst(%dma_wait3A_576 : memref<128x128xf32, #tpu.memory_space<hbm>>)
    return
  }
}

</mosaic_0001>

<sc_bundles>
// kernel: kernel.3.cloned.1.call-start
scs
__scs_entry_jumppad:
0x0: {  	(pc) =	sbr.rel $0x88, $3  }
0x1: {  	(tag) =	ssettag $0x0;
	lr =	simm.s32 $0x1  }
0x2: {  	[smem:$0x3F9D] =	sst lr;
	_ =	strace $0xD0000000  }
0x3: {  	_ = 	snop  }
0x4: {  	_ = 	snop  }
0x5: {  	_ = 	snop  }
0x6: {  	_ = 	snop  }
0x7: {  	_ = 	snop  }
__scs_overlays_trampoline_lowered:
0x8: {  	[smem:$0x3FAC] =	sst s0  }
0x9: {  	[smem:$0x3FAD] =	sst s1  }
0xa: {  	[smem:$0x3FAE] =	sst s2  }
0xb: {  	[smem:$0x3FAF] =	sst s3  }
0xc: {  	[smem:$0x3FB0] =	sst s4  }
0xd: {  	[smem:$0x3FB1] =	sst s5  }
0xe: {  	[smem:$0x3FB2] =	sst s6  }
0xf: {  	[smem:$0x3FB3] =	sst s7  }
0x10: {  	[smem:$0x3FB4] =	sst s8  }
0x11: {  	[smem:$0x3FB5] =	sst s9;
	s0 =	simm.s32 @!p0 $0x0  }
0x12: {  	s1 =	sld [smem:$0x3F9B];
	s0 =	simm.s32 @p0 $0x1  }
0x13: {  	[smem:$0x3FB6] =	sst s0;
	s0 =	simm.s32 @!p1 $0x0  }
0x14: {  	s2 =	sld [smem:$0x3F9A];
	s0 =	simm.s32 @p1 $0x1  }
0x15: {  	[smem:$0x3FB7] =	sst s0;
	s0 =	simm.s32 @!p2 $0x0  }
0x16: {  	s3 =	sld [smem:$0x3FDB];
	s0 =	simm.s32 @p2 $0x1  }
0x17: {  	s4 =	simm.s32 $0x1BF5;
	[smem:$0x3FB9] =	sst s0  }
0x18: {  	s0 =	sld [smem:$0x3F9C];
	_ =	swait.ge [sflag:s4], $0x0  }
0x19: {  	s7 =	sld [smem:$0x3F9D]  }
0x1a: {  	s8 =	sadd.s32 $0xFFFFE003, lr  }
0x1b: {  	s9 =	sadd.s32 $0xFFFFFEF7, lr;
	s5 =	simm.s32 $0xFFFFFFFF;
	p2 =	slt.u32 s8, $0xFFFFF086  }
0x1c: {  	p1 =	slt.u32 s9, $0xF7A;
	s5 =	simm.s32 @!p2 $0x0  }
0x1d: {  	s5 =	simm.s32 @p1 $0x1;
	p0 =	seq.s32 s7, s2  }
0x1e: {  	s7 =	smul.u32 @!p0 $0xF7A, s2;
	p2 =	seq.s32 @!p0 s5, $0x0  }
0x1f: {  	s9 =	smul.u32 $0xF7A, s1;
	s8 =	simm.s32 @!p0 $0x1BF5;
	p2 =	por !p2, p0  }
0x20: {  	[sflag:s8] =	ssyncset.s32 @!p0 $0xFFFFF086;
	s6 =	sadd.s32 @!p0 s3, s7;
	s7 =	simm.s32 @!p0 $0x108  }
0x21: {  	s3 =	sadd.s32 s3, s9;
	s6 =	sadd.s32 @!p0 $0x88, s6;
	s7 =	simm.s32 @p2 $0x1082  }
0x22: {  	[simem:s7], [sflag:s8] =	dma.local @!p0 [hbm:s6], $0xF7A  }
0x23: {  	s9 =	sor.u32 $0xD0000000, s2;
	s6 =	simm.s32 $0x108;
	_ =	swait.ge @!p0 [sflag:s8], $0x0  }
0x24: {  	s3 =	sadd.s32 $0x88, s3;
	s6 =	simm.s32 @!p1 $0x1082;
	[sflag:s4] =	ssyncset.s32 $0xFFFFF086  }
0x25: {  	[simem:s6], [sflag:s4] =	dma.local [hbm:s3], $0xF7A  }
0x26: {  	[smem:$0x3F9D] =	sst s1;
	(tag) =	ssettag s2;
	_ =	strace s9  }
0x27: {  	s1 =	sld [smem:$0x3FAD]  }
0x28: {  	s2 =	sld [smem:$0x3FAE]  }
0x29: {  	s4 =	sld [smem:$0x3FB0]  }
0x2a: {  	p0 =	seq.s32 s5, $0x0;
	s5 =	sld [smem:$0x3FB1]  }
0x2b: {  	s6 =	sld [smem:$0x3FB2]  }
0x2c: {  	s7 =	sld [smem:$0x3FB3]  }
0x2d: {  	s3 =	simm.s32 $0x108;
	s8 =	sld [smem:$0x3FB4]  }
0x2e: {  	s3 =	simm.s32 @!p0 $0x1082;
	s9 =	sld [smem:$0x3FB5]  }
0x2f: {  	lr =	sadd.s32 s0, s3;
	s0 =	sld [smem:$0x3FAC]  }
0x30: {  	s3 =	sld [smem:$0x3FAF]  }
0x31: {  	[smem:$0x3FB8] =	sst s10  }
0x32: {  	s10 =	sld [smem:$0x3FB6];
	_ =	sdelay $0x3  }
0x33: {  	p0 =	seq.s32 s10, $0x1;
	s10 =	sld [smem:$0x3FB8];
	_ =	sdelay $0x3  }
0x34: {  	[smem:$0x3FB8] =	sst s10  }
0x35: {  	s10 =	sld [smem:$0x3FB7];
	_ =	sdelay $0x3  }
0x36: {  	p1 =	seq.s32 s10, $0x1;
	s10 =	sld [smem:$0x3FB8];
	_ =	sdelay $0x3  }
0x37: {  	[smem:$0x3FB8] =	sst s10  }
0x38: {  	s10 =	sld [smem:$0x3FB9]  }
0x39: {  	_ = 	snop;
	(pc) =	sbr.ind lr, $3  }
0x3a: {  	_ = 	snop  }
0x3b: {  	_ = 	snop  }
0x3c: {  	p2 =	seq.s32 s10, $0x1;
	s10 =	sld [smem:$0x3FB8]  }
0x3d: {  	_ =	shalt  }
0x3e: {  	_ =	shalt  }
0x3f: {  	_ =	shalt  }
0x40: {  	_ =	shalt  }
0x41: {  	_ =	shalt  }
0x42: {  	_ =	shalt  }
0x43: {  	_ =	shalt  }
0x44: {  	_ =	shalt  }
0x45: {  	_ =	shalt  }
0x46: {  	_ =	shalt  }
0x47: {  	_ =	shalt  }
0x48: {  	_ =	shalt  }
0x49: {  	_ =	shalt  }
0x4a: {  	_ =	shalt  }
0x4b: {  	_ =	shalt  }
0x4c: {  	_ =	shalt  }
0x4d: {  	_ =	shalt  }
0x4e: {  	_ =	shalt  }
0x4f: {  	_ =	shalt  }
0x50: {  	_ =	shalt  }
0x51: {  	_ =	shalt  }
0x52: {  	_ =	shalt  }
0x53: {  	_ =	shalt  }
0x54: {  	_ =	shalt  }
0x55: {  	_ =	shalt  }
0x56: {  	_ =	shalt  }
0x57: {  	_ =	shalt  }
0x58: {  	_ =	shalt  }
0x59: {  	_ =	shalt  }
0x5a: {  	_ =	shalt  }
0x5b: {  	_ =	shalt  }
0x5c: {  	_ =	shalt  }
0x5d: {  	_ =	shalt  }
0x5e: {  	_ =	shalt  }
0x5f: {  	_ =	shalt  }
0x60: {  	_ =	shalt  }
0x61: {  	_ =	shalt  }
0x62: {  	_ =	shalt  }
0x63: {  	_ =	shalt  }
0x64: {  	_ =	shalt  }
0x65: {  	_ =	shalt  }
0x66: {  	_ =	shalt  }
0x67: {  	_ =	shalt  }
0x68: {  	_ =	shalt  }
0x69: {  	_ =	shalt  }
0x6a: {  	_ =	shalt  }
0x6b: {  	_ =	shalt  }
0x6c: {  	_ =	shalt  }
0x6d: {  	_ =	shalt  }
0x6e: {  	_ =	shalt  }
0x6f: {  	_ =	shalt  }
0x70: {  	_ =	shalt  }
0x71: {  	_ =	shalt  }
0x72: {  	_ =	shalt  }
0x73: {  	_ =	shalt  }
0x74: {  	_ =	shalt  }
0x75: {  	_ =	shalt  }
0x76: {  	_ =	shalt  }
0x77: {  	_ =	shalt  }
0x78: {  	_ =	shalt  }
0x79: {  	_ =	shalt  }
0x7a: {  	_ =	shalt  }
0x7b: {  	_ =	shalt  }
0x7c: {  	_ =	shalt  }
0x7d: {  	_ =	shalt  }
0x7e: {  	_ =	shalt  }
0x7f: {  	_ =	shalt  }
0x80: {  	_ =	shalt  }
0x81: {  	_ =	shalt  }
0x82: {  	_ =	shalt  }
0x83: {  	_ =	shalt  }
0x84: {  	_ =	shalt  }
0x85: {  	_ =	shalt  }
0x86: {  	_ =	shalt  }
0x87: {  	_ =	shalt  }
.Lfunc_end0:
.L_simem_size_0:
called_computation_lowered:
.L_overlay_start_0:
0x88: {  	s2 =	sld [smem:$0x3FD9]  }
0x89: {  	s3 =	sld [smem:$0x3FFE];
	_ =	sdelay $0x1  }
0x8a: {  	s1 =	srdreg.scid  }
0x8b: {  	s0 =	sand.u32 $0x1, s1  }
0x8c: {  	s18 =	sshll.u32 s0, $0xA;
	s2 =	sadd.s32 s3, s2  }
0x8d: {  	s2 =	sadd.s32 s2, s18  }
0x8e: {  	[smem:$0x3FC4] =	sst s2  }
0x8f: {  	_ = 	snop  }
0x90: {  	s2 =	sld [smem:$0x3FC9]  }
0x91: {  	s19 =	sld [smem:$0x3FC8]  }
0x92: {  	s4 =	sld [smem:$0x3FC7]  }
0x93: {  	s5 =	sld [smem:$0x3FC6]  }
0x94: {  	s6 =	sld [smem:$0x3FD0];
	(tm) =	ssettm $0x1  }
0x95: {  	s7 =	sld [smem:$0x3FFB];
	_ =	sdelay $0x3  }
0x96: {  	_ =	strace s7  }
0x97: {  	s7 =	sld [smem:$0x3FFC];
	_ =	sdelay $0x3  }
0x98: {  	_ =	strace s7  }
0x99: {  	s7 =	sld [smem:$0x3FFD];
	_ =	sdelay $0x3  }
0x9a: {  	_ =	strace s7  }
0x9b: {  	_ =	strace $0x8FFFFFFF  }
0x9c: {  	s20 =	sld [smem:$0x3FDB];
	_ =	sdelay $0x1  }
0x9d: {  	s8 =	simm.s32 $_scs_section_size  }
0x9e: {  	s9 =	simm.s32 $_size__tile_overlayer_lowered;
	s10 =	simm.s32 $_tile_overlayer_lowered  }
0x9f: {  	s23 =	simm.s32 $0x1BFF;
	s22 =	sshll.u32 s10, $0x1;
	s7 =	sadd.s32 s8, s20  }
0xa0: {  	s11 =	simm.s32 $0x0;
	s21 =	sshll.u32 s9, $0x1;
	s9 =	sadd.s32 s22, s7  }
0xa1: {  	[timem:s11], [sflag:s23] =	dma.local [hbm:s9], s21  }
0xa2: {  	_ =	swait.ge [sflag:s23], s21  }
0xa3: {  	s8 =	ssub.s32 $0x0, s21;
	[sflag:s23] =	ssyncset.done $0x0  }
0xa4: {  	[sflag:s23] =	ssyncadd.s32 s8;
	_ =	sdelay $0x1  }
0xa5: {  	s24 =	simm.s32 $0x1B8B  }
0xa6: {  	_ =	swait.ge [sflag:s24], $0x1  }
0xa7: {  	[sflag:s24] =	ssyncset.done $0x0  }
0xa8: {  	s25 =	simm.s32 $0x1B8E;
	[sflag:s24] =	ssyncadd.s32 $0xFFFFFFFF  }
0xa9: {  	s26 =	simm.s32 $execute0_lowered;
	[smem:$0x3FD2] =	sst s25  }
0xaa: {  	s8 =	sshll.u32 s26, $0x1;
	_ =	strace $0x80000046;
	[dreg:$0x1] =	wrdreg $0xFFFFFFFF  }
0xab: {  	s28 =	simm.s32 $_size_execute0_lowered;
	s7 =	sadd.s32 s7, s8;
	[dreg:$0x0] =	wrdreg $0x0  }
0xac: {  	s8 =	sshll.u32 s28, $0x1;
	[dreg:$0x2] =	wrdreg s7  }
0xad: {  	[dreg:$0x3] =	wrdreg s8  }
0xae: {  	[dreg:$0x4] =	wrdreg $0xC0  }
0xaf: {  	_ =	task [dreg:s11], $0x5FFFF  }
0xb0: {  	[dreg:$0x1] =	wrdreg $0xFFFFFFFF  }
0xb1: {  	[dreg:$0x0] =	wrdreg $0x60  }
0xb2: {  	[dreg:$0x2] =	wrdreg s2  }
0xb3: {  	[dreg:$0x3] =	wrdreg s19  }
0xb4: {  	[dreg:$0x4] =	wrdreg s4  }
0xb5: {  	[dreg:$0x5] =	wrdreg s5  }
0xb6: {  	[dreg:$0x6] =	wrdreg s6  }
0xb7: {  	[dreg:$0x7] =	wrdreg $0x4000  }
0xb8: {  	[dreg:$0x8] =	wrdreg $0x4F00  }
0xb9: {  	[dreg:$0x9] =	wrdreg $0x9  }
0xba: {  	_ =	task.clear_ibuf [dreg:s11], $0xAFFFF;
	_ =	strace $0x90000046  }
0xbb: {  	s29 =	simm.s32 $0x9;
	_ =	strace $0x80000048  }
0xbc: {  	_ =	swait.ge [sflag:s29], $0x1  }
0xbd: {  	[sflag:s29] =	ssyncadd.s32 $0xFFFFFFFF  }
0xbe: {  	_ =	strace $0x90000048  }
0xbf: {  	_ =	sfence  }
0xc0: {  	s30 =	sld [smem:$0x0];
	_ =	sdelay $0x2  }
0xc1: {  	s31 =	sshll.u32 s1, $0xD;
	s1 =	sshrl.u32 s1, $0x2  }
0xc2: {  	s3 =	sand.u32 $0x4000, s31;
	s1 =	sadd.s32 s1, s30  }
0xc3: {  	s0 =	sor.u32 s3, s0;
	s1 =	sshll.u32 s1, $0x11  }
0xc4: {  	s0 =	sor.u32 s1, s0  }
0xc5: {  	s0 =	sadd.s32 $0x8F2B, s0  }
0xc6: {  	[sflag:s0] =	ssyncadd.remote.s32 $0x1  }
0xc7: {  	_ =	sfence.sel $0xFFFF  }
0xc8: {  	[dreg:$0x0] =	wrdreg $0xFFFFFFFF;
	(pc) =	sbr.abs _section_cstart, $3  }
0xc9: {  	[dreg:$0x1] =	wrdreg $0xFFFFFFFF  }
0xca: {  	_ =	task.clear_ibuf [dreg:s11], $0x2FFFF;
	_ =	strace $0x9FFFFFFF  }
0xcb: {  	(tm) =	ssettm $0x7FFFFFFF  }
tec
execute0_lowered:
.L_overlay_start_1:
0x0: {  	(tag) =	ssettag $0x1  }
0x1: {  	s0 =	rddreg [dreg:$0x0]  }
0x2: {  	s3 =	rddreg [dreg:$0x1]  }
0x3: {  	s1 =	rddreg [dreg:$0x2]  }
0x4: {  	s12 =	rddreg [dreg:$0x3]  }
0x5: {  	s4 =	rddreg [dreg:$0x4]  }
0x6: {  	s2 =	rddreg [dreg:$0x6]  }
0x7: {  	s29 =	rddreg [dreg:$0x7]  }
0x8: {  	s5 =	srdreg.scid;
	[dreg:$0x8] =	wrdreg s1  }
0x9: {  	s7 =	stileid.u32;
	s6 =	simm.s32 $0x0;
	[dreg:$0x9] =	wrdreg s12  }
0xa: {  	p1 =	por $0x0, $0x0;
	s1 =	rddreg [dreg:$0x5];
	s5 =	sand.u32 $0x1, s5  }
0xb: {  	s8 =	sshll.u32 s7, $0x1;
	[smem:$0x7FF] =	sst s6;
	p0 =	sne.s32 s7, $0x0  }
0xc: {  	s7 =	simm.s32 $0x80;
	s12 =	simm.s32 $0x800;
	s8 =	sor.u32 s5, s8  }
0xd: {  	_ =	strace $0x80000047;
	s24 =	ssub.s32 $0x2, s5;
	s9 =	sshll.u32 s8, $0x6  }
0xe: {  	s8 =	sshll.u32 s8, $0xE;
	s26 =	sshrl.u32 s24, $0x1;
	s28 =	rddreg [dreg:$0x8]  }
0xf: {  	s10 =	sadd.s32 s0, s9;
	s13 =	sadd.s32 s3, s9;
	s11 =	sor.u32 $0x10, s9  }
0x10: {  	s16 =	sor.u32 $0x20, s9;
	s9 =	sor.u32 $0x30, s9;
	[dreg:$0xa] =	wrdreg s10  }
0x11: {  	[dreg:$0xb] =	wrdreg s13;
	s14 =	sadd.s32 s0, s11;
	s15 =	sadd.s32 s3, s11  }
0x12: {  	s17 =	sadd.s32 s0, s16;
	s18 =	sadd.s32 s3, s16;
	s0 =	sadd.s32 s0, s9  }
0x13: {  	s19 =	sadd.s32 s3, s9;
	s16 =	sadd.s32 s4, s8;
	[dreg:$0xc] =	wrdreg s14  }
0x14: {  	s3 =	ssub.s32 s24, s26;
	s24 =	simm.s32 $0x200;
	[dreg:$0xd] =	wrdreg s15  }
0x15: {  	s13 =	simm.s32 $0x180;
	s4 =	simm.s32 $0x3;
	[dreg:$0xe] =	wrdreg s17  }
0x16: {  	s8 =	simm.s32 $0x810;
	s9 =	simm.s32 $0xC810;
	[dreg:$0xf] =	wrdreg s18  }
0x17: {  	s11 =	simm.s32 $0x2;
	s10 =	simm.s32 $0x400;
	[dreg:$0x10] =	wrdreg s0  }
0x18: {  	s26 =	sshrl.u32 @!p0 s1, $0x3;
	[dreg:$0x11] =	wrdreg s19;
	s20 =	sadd.s32 $0x80, s16  }
0x19: {  	s21 =	sadd.s32 $0x1000, s16;
	s22 =	sadd.s32 $0x1080, s16;
	s23 =	sadd.s32 $0x2000, s16  }
0x1a: {  	s25 =	sadd.s32 $0x2080, s16;
	s30 =	sadd.s32 $0x3000, s16;
	s31 =	smax.u32 s3, $0x1  }
0x1b: {  	s5 =	sadd.s32 $0x3080, s16;
	[dreg:$0x12] =	wrdreg s20;
	s0 =	sadd.s32 $0xFFFFFFFF, s31  }
0x1c: {  	s17 =	simm.s32 $0x100;
	[dreg:$0x13] =	wrdreg s21;
	p2 =	sne.s32 s0, $0x0  }
.Ltmp0:
0x1d: {  	s18 =	simm.s32 $0x300;
	[dreg:$0x14] =	wrdreg s22;
	(pc) =	sbr.rel @!p2 .LBB2_5-.Ltmp0, $4  }
0x1e: {  	s14 =	simm.s32 $0x380;
	s3 =	simm.s32 $0x4;
	[dreg:$0x15] =	wrdreg s23  }
0x1f: {  	s15 =	simm.s32 $0x1;
	s19 =	simm.s32 $0x8810;
	[dreg:$0x16] =	wrdreg s25  }
0x20: {  	[dreg:$0x17] =	wrdreg s30;
	s21 =	simm.s32 $0x280;
	s22 =	simm.s32 $0x4810  }
0x21: {  	s23 =	simm.s32 $0x10810;
	s20 =	simm.s32 $0x14810;
	s25 =	sshrl.u32 @!p0 s2, $0x3  }
0x22: {  	s29 =	smov.u32 s0;
	s0 =	simm.s32 @!p0 $0x1C01  }
0x23: {  	[spmem:s26], [sflag:s0] =	dma.local @!p0 [hbm:s28], $0x1E0  }
0x24: {  	s30 =	simm.s32 @!p0 $0x1;
	s0 =	simm.s32 @!p0 $0x1C02;
	s28 =	rddreg [dreg:$0x9]  }
0x25: {  	[spmem:s25], [sflag:s0] =	dma.local @!p0 [hbm:s28], $0x640  }
0x26: {  	_ =	swait.ge @!p0 [sflag:s30], $0x1E0  }
0x27: {  	[sflag:s30] =	ssyncset.done @!p0 $0x0  }
0x28: {  	s31 =	simm.s32 @!p0 $0x2;
	[sflag:s30] =	ssyncadd.s32 @!p0 $0xFFFFFE20  }
0x29: {  	_ =	swait.ge @!p0 [sflag:s31], $0x640  }
0x2a: {  	[sflag:s31] =	ssyncset.done @!p0 $0x0  }
0x2b: {  	s28 =	rddreg [dreg:$0xa];
	[sflag:s31] =	ssyncadd.s32 @!p0 $0xFFFFF9C0  }
0x2c: {  	[tilespmem:s6], [sflag:$0x3] =	stream.linear.gather [hbm4b:s28+s6], $0x80, $0x38;
	[tilespmem:$0x18810] =	vst v63  }
0x2d: {  	s0 =	rddreg [dreg:$0xb]  }
0x2e: {  	[tilespmem:s24], [sflag:$0x4] =	stream.linear.gather [hbm4b:s0+s6], $0x80, $0x38;
	[tilespmem:$0x18810] =	vst v63  }
0x2f: {  	s28 =	rddreg [dreg:$0xc]  }
0x30: {  	[tilespmem:s7], [sflag:$0x3] =	stream.linear.gather [hbm4b:s28+s6], $0x80, $0x38;
	[tilespmem:$0x18810] =	vst v63  }
0x31: {  	s0 =	rddreg [dreg:$0xd]  }
0x32: {  	[tilespmem:s21], [sflag:$0x4] =	stream.linear.gather [hbm4b:s0+s6], $0x80, $0x38;
	[tilespmem:$0x18810] =	vst v63  }
0x33: {  	s28 =	rddreg [dreg:$0xe]  }
0x34: {  	[tilespmem:s17], [sflag:$0x3] =	stream.linear.gather [hbm4b:s28+s6], $0x80, $0x38;
	[tilespmem:$0x18810] =	vst v63  }
0x35: {  	s0 =	rddreg [dreg:$0xf]  }
0x36: {  	[tilespmem:s18], [sflag:$0x4] =	stream.linear.gather [hbm4b:s0+s6], $0x80, $0x38;
	[tilespmem:$0x18810] =	vst v63  }
0x37: {  	s28 =	rddreg [dreg:$0x10]  }
0x38: {  	[tilespmem:s13], [sflag:$0x3] =	stream.linear.gather [hbm4b:s28+s6], $0x80, $0x38;
	[tilespmem:$0x18810] =	vst v63  }
0x39: {  	s0 =	rddreg [dreg:$0x11]  }
0x3a: {  	[tilespmem:s14], [sflag:$0x4] =	stream.linear.gather [hbm4b:s0+s6], $0x80, $0x38;
	[tilespmem:$0x18810] =	vst v63  }
0x3b: {  	_ =	swait.ge [sflag:s4], $0x80  }
0x3c: {  	[sflag:s4] =	ssyncset.done $0x0  }
0x3d: {  	[sflag:s4] =	ssyncadd.s32 $0xFFFFFF80  }
0x3e: {  	_ =	swait.ge [sflag:s3], $0x80  }
0x3f: {  	[sflag:s3] =	ssyncset.done $0x0  }
0x40: {  	[sflag:s3] =	ssyncadd.s32 $0xFFFFFF80  }
0x41: {  	_ =	swait.ge [sflag:s4], $0x80  }
0x42: {  	[sflag:s4] =	ssyncset.done $0x0  }
0x43: {  	[sflag:s4] =	ssyncadd.s32 $0xFFFFFF80  }
0x44: {  	_ =	swait.ge [sflag:s3], $0x80  }
0x45: {  	[sflag:s3] =	ssyncset.done $0x0  }
0x46: {  	[sflag:s3] =	ssyncadd.s32 $0xFFFFFF80  }
0x47: {  	_ =	swait.ge [sflag:s4], $0x80  }
0x48: {  	[sflag:s4] =	ssyncset.done $0x0  }
0x49: {  	[sflag:s4] =	ssyncadd.s32 $0xFFFFFF80  }
0x4a: {  	_ =	swait.ge [sflag:s3], $0x80  }
0x4b: {  	[sflag:s3] =	ssyncset.done $0x0  }
0x4c: {  	[sflag:s3] =	ssyncadd.s32 $0xFFFFFF80  }
0x4d: {  	_ =	swait.ge [sflag:s4], $0x80  }
0x4e: {  	[sflag:s4] =	ssyncset.done $0x0  }
0x4f: {  	[sflag:s4] =	ssyncadd.s32 $0xFFFFFF80  }
0x50: {  	_ =	swait.ge [sflag:s3], $0x80  }
0x51: {  	[sflag:s3] =	ssyncset.done $0x0  }
0x52: {  	[sflag:s3] =	ssyncadd.s32 $0xFFFFFF80  }
0x53: {  	[bflag:$0x0] =	sbarrier.arrive $0xFFFF  }
0x54: {  	[tilespmem:s8], [sflag:$0x1] =	stream.indirect.gather [spmem:s1], $0x80, s6, s7, $0xb8;
	[tilespmem:$0x18810] =	vst v63  }
0x55: {  	_ = 	snop  }
0x56: {  	[tilespmem:s9], [sflag:$0x2] =	stream.indirect.gather [spmem:s2], $0x80, s24, s7, $0xb8;
	[tilespmem:$0x18810] =	vst v63  }
0x57: {  	_ =	swait.ge [sflag:s15], $0x4000  }
0x58: {  	[sflag:s15] =	ssyncset.done $0x0  }
0x59: {  	[sflag:s15] =	ssyncadd.s32 $0xFFFFC000  }
0x5a: {  	_ =	swait.ge [sflag:s11], $0x4000  }
0x5b: {  	[sflag:s11] =	ssyncset.done $0x0  }
0x5c: {  	[sflag:s11] =	ssyncadd.s32 $0xFFFFC000  }
0x5d: {  	[hbm4b:s16+s10] =	stream.strided.scatter [tilespmem:s8], [sflag:$0x3], $0x4000, s12, s10, $0x38;
	[tilespmem:$0x18810] =	vst v63  }
0x5e: {  	s0 =	rddreg [dreg:$0x12]  }
0x5f: {  	[hbm4b:s0+s10] =	stream.strided.scatter [tilespmem:s9], [sflag:$0x4], $0x4000, s12, s10, $0x38;
	[tilespmem:$0x18810] =	vst v63  }
0x60: {  	_ = 	snop  }
0x61: {  	[tilespmem:s22], [sflag:$0x1] =	stream.indirect.gather [spmem:s1], $0x80, s7, s7, $0xb8;
	[tilespmem:$0x18810] =	vst v63  }
0x62: {  	_ = 	snop  }
0x63: {  	[tilespmem:s23], [sflag:$0x2] =	stream.indirect.gather [spmem:s2], $0x80, s21, s7, $0xb8;
	[tilespmem:$0x18810] =	vst v63  }
0x64: {  	_ =	swait.ge [sflag:s15], $0x4000  }
0x65: {  	[sflag:s15] =	ssyncset.done $0x0  }
0x66: {  	[sflag:s15] =	ssyncadd.s32 $0xFFFFC000  }
0x67: {  	_ =	swait.ge [sflag:s11], $0x4000  }
0x68: {  	[sflag:s11] =	ssyncset.done $0x0  }
0x69: {  	s0 =	rddreg [dreg:$0x13];
	[sflag:s11] =	ssyncadd.s32 $0xFFFFC000  }
0x6a: {  	[hbm4b:s0+s10] =	stream.strided.scatter [tilespmem:s22], [sflag:$0x3], $0x4000, s12, s10, $0x38;
	[tilespmem:$0x18810] =	vst v63  }
0x6b: {  	s28 =	rddreg [dreg:$0x14]  }
0x6c: {  	[hbm4b:s28+s10] =	stream.strided.scatter [tilespmem:s23], [sflag:$0x4], $0x4000, s12, s10, $0x38;
	[tilespmem:$0x18810] =	vst v63  }
0x6d: {  	_ = 	snop  }
0x6e: {  	[tilespmem:s19], [sflag:$0x1] =	stream.indirect.gather [spmem:s1], $0x80, s17, s7, $0xb8;
	[tilespmem:$0x18810] =	vst v63  }
0x6f: {  	_ = 	snop  }
0x70: {  	[tilespmem:s20], [sflag:$0x2] =	stream.indirect.gather [spmem:s2], $0x80, s18, s7, $0xb8;
	[tilespmem:$0x18810] =	vst v63  }
0x71: {  	_ =	swait.ge [sflag:s15], $0x4000  }
0x72: {  	[sflag:s15] =	ssyncset.done $0x0  }
0x73: {  	[sflag:s15] =	ssyncadd.s32 $0xFFFFC000  }
0x74: {  	_ =	swait.ge [sflag:s11], $0x4000  }
0x75: {  	[sflag:s11] =	ssyncset.done $0x0  }
0x76: {  	s0 =	rddreg [dreg:$0x15];
	[sflag:s11] =	ssyncadd.s32 $0xFFFFC000  }
0x77: {  	[hbm4b:s0+s10] =	stream.strided.scatter [tilespmem:s19], [sflag:$0x3], $0x4000, s12, s10, $0x38;
	[tilespmem:$0x18810] =	vst v63  }
0x78: {  	s28 =	rddreg [dreg:$0x16]  }
0x79: {  	[hbm4b:s28+s10] =	stream.strided.scatter [tilespmem:s20], [sflag:$0x4], $0x4000, s12, s10, $0x38;
	[tilespmem:$0x18810] =	vst v63  }
0x7a: {  	_ =	swait.ge [sflag:s4], $0x4000  }
0x7b: {  	[sflag:s4] =	ssyncset.done $0x0  }
0x7c: {  	[sflag:s4] =	ssyncadd.s32 $0xFFFFC000  }
0x7d: {  	_ =	swait.ge [sflag:s3], $0x4000  }
0x7e: {  	[sflag:s3] =	ssyncset.done $0x0  }
0x7f: {  	[sflag:s3] =	ssyncadd.s32 $0xFFFFC000  }
0x80: {  	[tilespmem:s8], [sflag:$0x1] =	stream.indirect.gather [spmem:s1], $0x80, s13, s7, $0xb8;
	[tilespmem:$0x18810] =	vst v63  }
0x81: {  	_ = 	snop  }
0x82: {  	[tilespmem:s9], [sflag:$0x2] =	stream.indirect.gather [spmem:s2], $0x80, s14, s7, $0xb8;
	[tilespmem:$0x18810] =	vst v63  }
0x83: {  	_ =	swait.ge [sflag:s15], $0x4000  }
0x84: {  	[sflag:s15] =	ssyncset.done $0x0  }
0x85: {  	[sflag:s15] =	ssyncadd.s32 $0xFFFFC000  }
0x86: {  	_ =	swait.ge [sflag:s11], $0x4000  }
0x87: {  	[sflag:s11] =	ssyncset.done $0x0  }
0x88: {  	s0 =	rddreg [dreg:$0x17];
	[sflag:s11] =	ssyncadd.s32 $0xFFFFC000  }
0x89: {  	[hbm4b:s0+s10] =	stream.strided.scatter [tilespmem:s8], [sflag:$0x3], $0x4000, s12, s10, $0x38;
	[tilespmem:$0x18810] =	vst v63  }
0x8a: {  	_ = 	snop  }
0x8b: {  	[hbm4b:s5+s10] =	stream.strided.scatter [tilespmem:s9], [sflag:$0x4], $0x4000, s12, s10, $0x38;
	[tilespmem:$0x18810] =	vst v63  }
0x8c: {  	_ =	swait.ge [sflag:s4], $0x4000  }
0x8d: {  	[sflag:s4] =	ssyncset.done $0x0  }
0x8e: {  	[sflag:s4] =	ssyncadd.s32 $0xFFFFC000  }
0x8f: {  	_ =	swait.ge [sflag:s3], $0x4000  }
0x90: {  	[sflag:s3] =	ssyncset.done $0x0  }
0x91: {  	[sflag:s3] =	ssyncadd.s32 $0xFFFFC000  }
0x92: {  	_ =	swait.ge [sflag:s4], $0x4000  }
0x93: {  	[sflag:s4] =	ssyncset.done $0x0  }
0x94: {  	[sflag:s4] =	ssyncadd.s32 $0xFFFFC000  }
0x95: {  	_ =	swait.ge [sflag:s3], $0x4000  }
0x96: {  	s0 =	sadd.s32 $0xFFFFFFFF, s29;
	[sflag:s3] =	ssyncset.done $0x0  }
0x97: {  	p2 =	sne.s32 s0, $0x0;
	[sflag:s3] =	ssyncadd.s32 $0xFFFFC000  }
.Ltmp1:
0x98: {  	_ =	swait.ge [sflag:s4], $0x4000;
	(pc) =	sbr.rel @!p2 .LBB2_2-.Ltmp1, $4  }
0x99: {  	[sflag:s4] =	ssyncset.done $0x0  }
0x9a: {  	[sflag:s4] =	ssyncadd.s32 $0xFFFFC000  }
0x9b: {  	_ =	swait.ge [sflag:s3], $0x4000  }
0x9c: {  	p1 =	por $0x1, $0x1;
	s28 =	rddreg [dreg:$0x8];
	[sflag:s3] =	ssyncset.done $0x0  }
.LBB2_3:
0x9d: {  	[sflag:s3] =	ssyncadd.s32 $0xFFFFC000;
	s29 =	simm.s32 @!p0 $0x1C01  }
0x9e: {  	[spmem:s26], [sflag:s29] =	dma.local @!p0 [hbm:s28], $0x1E0  }
0x9f: {  	s29 =	simm.s32 @!p0 $0x1C02;
	s28 =	rddreg [dreg:$0x9]  }
0xa0: {  	[spmem:s25], [sflag:s29] =	dma.local @!p0 [hbm:s28], $0x640  }
0xa1: {  	_ =	swait.ge @!p0 [sflag:s30], $0x1E0  }
0xa2: {  	[sflag:s30] =	ssyncset.done @!p0 $0x0  }
0xa3: {  	[sflag:s30] =	ssyncadd.s32 @!p0 $0xFFFFFE20  }
0xa4: {  	_ =	swait.ge @!p0 [sflag:s31], $0x640  }
0xa5: {  	[sflag:s31] =	ssyncset.done @!p0 $0x0  }
0xa6: {  	s28 =	rddreg [dreg:$0xa];
	[sflag:s31] =	ssyncadd.s32 @!p0 $0xFFFFF9C0  }
0xa7: {  	[tilespmem:s6], [sflag:$0x3] =	stream.linear.gather [hbm4b:s28+s6], $0x80, $0x38;
	[tilespmem:$0x18810] =	vst v63  }
0xa8: {  	s29 =	rddreg [dreg:$0xb]  }
0xa9: {  	[tilespmem:s24], [sflag:$0x4] =	stream.linear.gather [hbm4b:s29+s6], $0x80, $0x38;
	[tilespmem:$0x18810] =	vst v63  }
0xaa: {  	s28 =	rddreg [dreg:$0xc]  }
0xab: {  	[tilespmem:s7], [sflag:$0x3] =	stream.linear.gather [hbm4b:s28+s6], $0x80, $0x38;
	[tilespmem:$0x18810] =	vst v63  }
0xac: {  	s29 =	rddreg [dreg:$0xd]  }
0xad: {  	[tilespmem:s21], [sflag:$0x4] =	stream.linear.gather [hbm4b:s29+s6], $0x80, $0x38;
	[tilespmem:$0x18810] =	vst v63  }
0xae: {  	s28 =	rddreg [dreg:$0xe]  }
0xaf: {  	[tilespmem:s17], [sflag:$0x3] =	stream.linear.gather [hbm4b:s28+s6], $0x80, $0x38;
	[tilespmem:$0x18810] =	vst v63  }
0xb0: {  	s29 =	rddreg [dreg:$0xf]  }
0xb1: {  	[tilespmem:s18], [sflag:$0x4] =	stream.linear.gather [hbm4b:s29+s6], $0x80, $0x38;
	[tilespmem:$0x18810] =	vst v63  }
0xb2: {  	s28 =	rddreg [dreg:$0x10]  }
0xb3: {  	[tilespmem:s13], [sflag:$0x3] =	stream.linear.gather [hbm4b:s28+s6], $0x80, $0x38;
	[tilespmem:$0x18810] =	vst v63  }
0xb4: {  	s29 =	rddreg [dreg:$0x11]  }
0xb5: {  	[tilespmem:s14], [sflag:$0x4] =	stream.linear.gather [hbm4b:s29+s6], $0x80, $0x38;
	[tilespmem:$0x18810] =	vst v63  }
0xb6: {  	_ =	swait.ge [sflag:s4], $0x80  }
0xb7: {  	[sflag:s4] =	ssyncset.done $0x0  }
0xb8: {  	[sflag:s4] =	ssyncadd.s32 $0xFFFFFF80  }
0xb9: {  	_ =	swait.ge [sflag:s3], $0x80  }
0xba: {  	[sflag:s3] =	ssyncset.done $0x0  }
0xbb: {  	[sflag:s3] =	ssyncadd.s32 $0xFFFFFF80  }
0xbc: {  	_ =	swait.ge [sflag:s4], $0x80  }
0xbd: {  	[sflag:s4] =	ssyncset.done $0x0  }
0xbe: {  	[sflag:s4] =	ssyncadd.s32 $0xFFFFFF80  }
0xbf: {  	_ =	swait.ge [sflag:s3], $0x80  }
0xc0: {  	[sflag:s3] =	ssyncset.done $0x0  }
0xc1: {  	[sflag:s3] =	ssyncadd.s32 $0xFFFFFF80  }
0xc2: {  	_ =	swait.ge [sflag:s4], $0x80  }
0xc3: {  	[sflag:s4] =	ssyncset.done $0x0  }
0xc4: {  	[sflag:s4] =	ssyncadd.s32 $0xFFFFFF80  }
0xc5: {  	_ =	swait.ge [sflag:s3], $0x80  }
0xc6: {  	[sflag:s3] =	ssyncset.done $0x0  }
0xc7: {  	[sflag:s3] =	ssyncadd.s32 $0xFFFFFF80  }
0xc8: {  	_ =	swait.ge [sflag:s4], $0x80  }
0xc9: {  	[sflag:s4] =	ssyncset.done $0x0  }
0xca: {  	[sflag:s4] =	ssyncadd.s32 $0xFFFFFF80  }
0xcb: {  	_ =	swait.ge [sflag:s3], $0x80  }
0xcc: {  	[sflag:s3] =	ssyncset.done $0x0  }
0xcd: {  	[sflag:s3] =	ssyncadd.s32 $0xFFFFFF80  }
0xce: {  	[bflag:$0x0] =	sbarrier.arrive $0xFFFF  }
0xcf: {  	[tilespmem:s8], [sflag:$0x1] =	stream.indirect.gather [spmem:s1], $0x80, s6, s7, $0xb8;
	[tilespmem:$0x18810] =	vst v63  }
0xd0: {  	_ = 	snop  }
0xd1: {  	[tilespmem:s9], [sflag:$0x2] =	stream.indirect.gather [spmem:s2], $0x80, s24, s7, $0xb8;
	[tilespmem:$0x18810] =	vst v63  }
0xd2: {  	_ =	swait.ge [sflag:s15], $0x4000  }
0xd3: {  	[sflag:s15] =	ssyncset.done $0x0  }
0xd4: {  	[sflag:s15] =	ssyncadd.s32 $0xFFFFC000  }
0xd5: {  	_ =	swait.ge [sflag:s11], $0x4000  }
0xd6: {  	[sflag:s11] =	ssyncset.done $0x0  }
0xd7: {  	[sflag:s11] =	ssyncadd.s32 $0xFFFFC000  }
0xd8: {  	[hbm4b:s16+s10] =	stream.strided.scatter [tilespmem:s8], [sflag:$0x3], $0x4000, s12, s10, $0x38;
	[tilespmem:$0x18810] =	vst v63  }
0xd9: {  	s28 =	rddreg [dreg:$0x12]  }
0xda: {  	[hbm4b:s28+s10] =	stream.strided.scatter [tilespmem:s9], [sflag:$0x4], $0x4000, s12, s10, $0x38;
	[tilespmem:$0x18810] =	vst v63  }
0xdb: {  	_ = 	snop  }
0xdc: {  	[tilespmem:s22], [sflag:$0x1] =	stream.indirect.gather [spmem:s1], $0x80, s7, s7, $0xb8;
	[tilespmem:$0x18810] =	vst v63  }
0xdd: {  	_ = 	snop  }
0xde: {  	[tilespmem:s23], [sflag:$0x2] =	stream.indirect.gather [spmem:s2], $0x80, s21, s7, $0xb8;
	[tilespmem:$0x18810] =	vst v63  }
0xdf: {  	_ =	swait.ge [sflag:s15], $0x4000  }
0xe0: {  	[sflag:s15] =	ssyncset.done $0x0  }
0xe1: {  	[sflag:s15] =	ssyncadd.s32 $0xFFFFC000  }
0xe2: {  	_ =	swait.ge [sflag:s11], $0x4000  }
0xe3: {  	[sflag:s11] =	ssyncset.done $0x0  }
0xe4: {  	s28 =	rddreg [dreg:$0x13];
	[sflag:s11] =	ssyncadd.s32 $0xFFFFC000  }
0xe5: {  	[hbm4b:s28+s10] =	stream.strided.scatter [tilespmem:s22], [sflag:$0x3], $0x4000, s12, s10, $0x38;
	[tilespmem:$0x18810] =	vst v63  }
0xe6: {  	s29 =	rddreg [dreg:$0x14]  }
0xe7: {  	[hbm4b:s29+s10] =	stream.strided.scatter [tilespmem:s23], [sflag:$0x4], $0x4000, s12, s10, $0x38;
	[tilespmem:$0x18810] =	vst v63  }
0xe8: {  	_ = 	snop  }
0xe9: {  	[tilespmem:s19], [sflag:$0x1] =	stream.indirect.gather [spmem:s1], $0x80, s17, s7, $0xb8;
	[tilespmem:$0x18810] =	vst v63  }
0xea: {  	_ = 	snop  }
0xeb: {  	[tilespmem:s20], [sflag:$0x2] =	stream.indirect.gather [spmem:s2], $0x80, s18, s7, $0xb8;
	[tilespmem:$0x18810] =	vst v63  }
0xec: {  	_ =	swait.ge [sflag:s15], $0x4000  }
0xed: {  	[sflag:s15] =	ssyncset.done $0x0  }
0xee: {  	[sflag:s15] =	ssyncadd.s32 $0xFFFFC000  }
0xef: {  	_ =	swait.ge [sflag:s11], $0x4000  }
0xf0: {  	[sflag:s11] =	ssyncset.done $0x0  }
0xf1: {  	s28 =	rddreg [dreg:$0x15];
	[sflag:s11] =	ssyncadd.s32 $0xFFFFC000  }
0xf2: {  	[hbm4b:s28+s10] =	stream.strided.scatter [tilespmem:s19], [sflag:$0x3], $0x4000, s12, s10, $0x38;
	[tilespmem:$0x18810] =	vst v63  }
0xf3: {  	s29 =	rddreg [dreg:$0x16]  }
0xf4: {  	[hbm4b:s29+s10] =	stream.strided.scatter [tilespmem:s20], [sflag:$0x4], $0x4000, s12, s10, $0x38;
	[tilespmem:$0x18810] =	vst v63  }
0xf5: {  	_ =	swait.ge [sflag:s4], $0x4000  }
0xf6: {  	[sflag:s4] =	ssyncset.done $0x0  }
0xf7: {  	[sflag:s4] =	ssyncadd.s32 $0xFFFFC000  }
0xf8: {  	_ =	swait.ge [sflag:s3], $0x4000  }
0xf9: {  	[sflag:s3] =	ssyncset.done $0x0  }
0xfa: {  	[sflag:s3] =	ssyncadd.s32 $0xFFFFC000  }
0xfb: {  	[tilespmem:s8], [sflag:$0x1] =	stream.indirect.gather [spmem:s1], $0x80, s13, s7, $0xb8;
	[tilespmem:$0x18810] =	vst v63  }
0xfc: {  	_ = 	snop  }
0xfd: {  	[tilespmem:s9], [sflag:$0x2] =	stream.indirect.gather [spmem:s2], $0x80, s14, s7, $0xb8;
	[tilespmem:$0x18810] =	vst v63  }
0xfe: {  	_ =	swait.ge [sflag:s15], $0x4000  }
0xff: {  	[sflag:s15] =	ssyncset.done $0x0  }
0x100: {  	[sflag:s15] =	ssyncadd.s32 $0xFFFFC000  }
0x101: {  	_ =	swait.ge [sflag:s11], $0x4000  }
0x102: {  	[sflag:s11] =	ssyncset.done $0x0  }
0x103: {  	s28 =	rddreg [dreg:$0x17];
	[sflag:s11] =	ssyncadd.s32 $0xFFFFC000  }
0x104: {  	[hbm4b:s28+s10] =	stream.strided.scatter [tilespmem:s8], [sflag:$0x3], $0x4000, s12, s10, $0x38;
	[tilespmem:$0x18810] =	vst v63  }
0x105: {  	_ = 	snop  }
0x106: {  	[hbm4b:s5+s10] =	stream.strided.scatter [tilespmem:s9], [sflag:$0x4], $0x4000, s12, s10, $0x38;
	[tilespmem:$0x18810] =	vst v63  }
0x107: {  	_ =	swait.ge [sflag:s4], $0x4000  }
0x108: {  	[sflag:s4] =	ssyncset.done $0x0  }
0x109: {  	[sflag:s4] =	ssyncadd.s32 $0xFFFFC000  }
0x10a: {  	_ =	swait.ge [sflag:s3], $0x4000  }
0x10b: {  	[sflag:s3] =	ssyncset.done $0x0  }
0x10c: {  	[sflag:s3] =	ssyncadd.s32 $0xFFFFC000  }
0x10d: {  	_ =	swait.ge [sflag:s4], $0x4000  }
0x10e: {  	[sflag:s4] =	ssyncset.done $0x0  }
0x10f: {  	[sflag:s4] =	ssyncadd.s32 $0xFFFFC000  }
0x110: {  	_ =	swait.ge [sflag:s3], $0x4000  }
0x111: {  	s0 =	sadd.s32 $0xFFFFFFFF, s0;
	[sflag:s3] =	ssyncset.done $0x0  }
0x112: {  	p2 =	sne.s32 s0, $0x0;
	[sflag:s3] =	ssyncadd.s32 $0xFFFFC000  }
.Ltmp2:
0x113: {  	_ =	swait.ge [sflag:s4], $0x4000;
	(pc) =	sbr.rel @p2 .LBB2_3-.Ltmp2, $4  }
0x114: {  	[sflag:s4] =	ssyncset.done $0x0  }
0x115: {  	[sflag:s4] =	ssyncadd.s32 $0xFFFFC000  }
0x116: {  	_ =	swait.ge [sflag:s3], $0x4000  }
0x117: {  	s28 =	rddreg [dreg:$0x8];
	[sflag:s3] =	ssyncset.done $0x0  }
0x118: {  	s29 =	rddreg [dreg:$0x7]  }
.LBB2_5:
0x119: {  	[sflag:s3] =	ssyncadd.s32 @p1 $0xFFFFC000;
	s0 =	simm.s32 @!p0 $0x1C01  }
0x11a: {  	[spmem:s26], [sflag:s0] =	dma.local @!p0 [hbm:s28], $0x1E0  }
0x11b: {  	s26 =	simm.s32 @!p0 $0x1C02;
	s0 =	rddreg [dreg:$0x9]  }
0x11c: {  	[spmem:s25], [sflag:s26] =	dma.local @!p0 [hbm:s0], $0x640  }
0x11d: {  	s0 =	simm.s32 @!p0 $0x1  }
0x11e: {  	_ =	swait.ge @!p0 [sflag:s0], $0x1E0  }
0x11f: {  	[sflag:s0] =	ssyncset.done @!p0 $0x0  }
0x120: {  	[sflag:s0] =	ssyncadd.s32 @!p0 $0xFFFFFE20;
	s0 =	simm.s32 @!p0 $0x2  }
0x121: {  	_ =	swait.ge @!p0 [sflag:s0], $0x640  }
0x122: {  	[sflag:s0] =	ssyncset.done @!p0 $0x0  }
0x123: {  	s26 =	rddreg [dreg:$0xa];
	[sflag:s0] =	ssyncadd.s32 @!p0 $0xFFFFF9C0  }
0x124: {  	[tilespmem:s6], [sflag:$0x3] =	stream.linear.gather [hbm4b:s26+s6], $0x80, $0x38;
	[tilespmem:$0x18810] =	vst v63  }
0x125: {  	s28 =	rddreg [dreg:$0xb]  }
0x126: {  	[tilespmem:s24], [sflag:$0x4] =	stream.linear.gather [hbm4b:s28+s6], $0x80, $0x38;
	[tilespmem:$0x18810] =	vst v63  }
0x127: {  	s30 =	rddreg [dreg:$0xc]  }
0x128: {  	[tilespmem:s7], [sflag:$0x3] =	stream.linear.gather [hbm4b:s30+s6], $0x80, $0x38;
	[tilespmem:$0x18810] =	vst v63  }
0x129: {  	s31 =	rddreg [dreg:$0xd]  }
0x12a: {  	[tilespmem:s21], [sflag:$0x4] =	stream.linear.gather [hbm4b:s31+s6], $0x80, $0x38;
	[tilespmem:$0x18810] =	vst v63  }
0x12b: {  	s26 =	rddreg [dreg:$0xe]  }
0x12c: {  	[tilespmem:s17], [sflag:$0x3] =	stream.linear.gather [hbm4b:s26+s6], $0x80, $0x38;
	[tilespmem:$0x18810] =	vst v63  }
0x12d: {  	s28 =	rddreg [dreg:$0xf]  }
0x12e: {  	[tilespmem:s18], [sflag:$0x4] =	stream.linear.gather [hbm4b:s28+s6], $0x80, $0x38;
	[tilespmem:$0x18810] =	vst v63  }
0x12f: {  	s30 =	rddreg [dreg:$0x10]  }
0x130: {  	[tilespmem:s13], [sflag:$0x3] =	stream.linear.gather [hbm4b:s30+s6], $0x80, $0x38;
	[tilespmem:$0x18810] =	vst v63  }
0x131: {  	s31 =	rddreg [dreg:$0x11]  }
0x132: {  	[tilespmem:s14], [sflag:$0x4] =	stream.linear.gather [hbm4b:s31+s6], $0x80, $0x38;
	[tilespmem:$0x18810] =	vst v63  }
0x133: {  	_ =	swait.ge [sflag:s4], $0x80  }
0x134: {  	[sflag:s4] =	ssyncset.done $0x0  }
0x135: {  	[sflag:s4] =	ssyncadd.s32 $0xFFFFFF80  }
0x136: {  	_ =	swait.ge [sflag:s3], $0x80  }
0x137: {  	[sflag:s3] =	ssyncset.done $0x0  }
0x138: {  	[sflag:s3] =	ssyncadd.s32 $0xFFFFFF80  }
0x139: {  	_ =	swait.ge [sflag:s4], $0x80  }
0x13a: {  	[sflag:s4] =	ssyncset.done $0x0  }
0x13b: {  	[sflag:s4] =	ssyncadd.s32 $0xFFFFFF80  }
0x13c: {  	_ =	swait.ge [sflag:s3], $0x80  }
0x13d: {  	[sflag:s3] =	ssyncset.done $0x0  }
0x13e: {  	[sflag:s3] =	ssyncadd.s32 $0xFFFFFF80  }
0x13f: {  	_ =	swait.ge [sflag:s4], $0x80  }
0x140: {  	[sflag:s4] =	ssyncset.done $0x0  }
0x141: {  	[sflag:s4] =	ssyncadd.s32 $0xFFFFFF80  }
0x142: {  	_ =	swait.ge [sflag:s3], $0x80  }
0x143: {  	[sflag:s3] =	ssyncset.done $0x0  }
0x144: {  	[sflag:s3] =	ssyncadd.s32 $0xFFFFFF80  }
0x145: {  	_ =	swait.ge [sflag:s4], $0x80  }
0x146: {  	[sflag:s4] =	ssyncset.done $0x0  }
0x147: {  	[sflag:s4] =	ssyncadd.s32 $0xFFFFFF80  }
0x148: {  	_ =	swait.ge [sflag:s3], $0x80  }
0x149: {  	[sflag:s3] =	ssyncset.done $0x0  }
0x14a: {  	[sflag:s3] =	ssyncadd.s32 $0xFFFFFF80  }
0x14b: {  	[bflag:$0x0] =	sbarrier.arrive $0xFFFF  }
0x14c: {  	[tilespmem:s8], [sflag:$0x1] =	stream.indirect.gather [spmem:s1], $0x80, s6, s7, $0xb8;
	[tilespmem:$0x18810] =	vst v63  }
0x14d: {  	_ = 	snop  }
0x14e: {  	[tilespmem:s9], [sflag:$0x2] =	stream.indirect.gather [spmem:s2], $0x80, s24, s7, $0xb8;
	[tilespmem:$0x18810] =	vst v63  }
0x14f: {  	_ =	swait.ge [sflag:s15], $0x4000  }
0x150: {  	[sflag:s15] =	ssyncset.done $0x0  }
0x151: {  	[sflag:s15] =	ssyncadd.s32 $0xFFFFC000  }
0x152: {  	_ =	swait.ge [sflag:s11], $0x4000  }
0x153: {  	[sflag:s11] =	ssyncset.done $0x0  }
0x154: {  	[sflag:s11] =	ssyncadd.s32 $0xFFFFC000  }
0x155: {  	[hbm4b:s16+s10] =	stream.strided.scatter [tilespmem:s8], [sflag:$0x3], $0x4000, s12, s10, $0x38;
	[tilespmem:$0x18810] =	vst v63  }
0x156: {  	s24 =	rddreg [dreg:$0x12]  }
0x157: {  	[hbm4b:s24+s10] =	stream.strided.scatter [tilespmem:s9], [sflag:$0x4], $0x4000, s12, s10, $0x38;
	[tilespmem:$0x18810] =	vst v63  }
0x158: {  	_ = 	snop  }
0x159: {  	[tilespmem:s22], [sflag:$0x1] =	stream.indirect.gather [spmem:s1], $0x80, s7, s7, $0xb8;
	[tilespmem:$0x18810] =	vst v63  }
0x15a: {  	_ = 	snop  }
0x15b: {  	[tilespmem:s23], [sflag:$0x2] =	stream.indirect.gather [spmem:s2], $0x80, s21, s7, $0xb8;
	[tilespmem:$0x18810] =	vst v63  }
0x15c: {  	_ =	swait.ge [sflag:s15], $0x4000  }
0x15d: {  	[sflag:s15] =	ssyncset.done $0x0  }
0x15e: {  	[sflag:s15] =	ssyncadd.s32 $0xFFFFC000  }
0x15f: {  	_ =	swait.ge [sflag:s11], $0x4000  }
0x160: {  	[sflag:s11] =	ssyncset.done $0x0  }
0x161: {  	s25 =	rddreg [dreg:$0x13];
	[sflag:s11] =	ssyncadd.s32 $0xFFFFC000  }
0x162: {  	[hbm4b:s25+s10] =	stream.strided.scatter [tilespmem:s22], [sflag:$0x3], $0x4000, s12, s10, $0x38;
	[tilespmem:$0x18810] =	vst v63  }
0x163: {  	s26 =	rddreg [dreg:$0x14]  }
0x164: {  	[hbm4b:s26+s10] =	stream.strided.scatter [tilespmem:s23], [sflag:$0x4], $0x4000, s12, s10, $0x38;
	[tilespmem:$0x18810] =	vst v63  }
0x165: {  	_ = 	snop  }
0x166: {  	[tilespmem:s19], [sflag:$0x1] =	stream.indirect.gather [spmem:s1], $0x80, s17, s7, $0xb8;
	[tilespmem:$0x18810] =	vst v63  }
0x167: {  	_ = 	snop  }
0x168: {  	[tilespmem:s20], [sflag:$0x2] =	stream.indirect.gather [spmem:s2], $0x80, s18, s7, $0xb8;
	[tilespmem:$0x18810] =	vst v63  }
0x169: {  	_ =	swait.ge [sflag:s15], $0x4000  }
0x16a: {  	[sflag:s15] =	ssyncset.done $0x0  }
0x16b: {  	[sflag:s15] =	ssyncadd.s32 $0xFFFFC000  }
0x16c: {  	_ =	swait.ge [sflag:s11], $0x4000  }
0x16d: {  	[sflag:s11] =	ssyncset.done $0x0  }
0x16e: {  	s28 =	rddreg [dreg:$0x15];
	[sflag:s11] =	ssyncadd.s32 $0xFFFFC000  }
0x16f: {  	[hbm4b:s28+s10] =	stream.strided.scatter [tilespmem:s19], [sflag:$0x3], $0x4000, s12, s10, $0x38;
	[tilespmem:$0x18810] =	vst v63  }
0x170: {  	s30 =	rddreg [dreg:$0x16]  }
0x171: {  	[hbm4b:s30+s10] =	stream.strided.scatter [tilespmem:s20], [sflag:$0x4], $0x4000, s12, s10, $0x38;
	[tilespmem:$0x18810] =	vst v63  }
0x172: {  	_ =	swait.ge [sflag:s4], $0x4000  }
0x173: {  	[sflag:s4] =	ssyncset.done $0x0  }
0x174: {  	[sflag:s4] =	ssyncadd.s32 $0xFFFFC000  }
0x175: {  	_ =	swait.ge [sflag:s3], $0x4000  }
0x176: {  	[sflag:s3] =	ssyncset.done $0x0  }
0x177: {  	[sflag:s3] =	ssyncadd.s32 $0xFFFFC000  }
0x178: {  	[tilespmem:s8], [sflag:$0x1] =	stream.indirect.gather [spmem:s1], $0x80, s13, s7, $0xb8;
	[tilespmem:$0x18810] =	vst v63  }
0x179: {  	_ = 	snop  }
0x17a: {  	[tilespmem:s9], [sflag:$0x2] =	stream.indirect.gather [spmem:s2], $0x80, s14, s7, $0xb8;
	[tilespmem:$0x18810] =	vst v63  }
0x17b: {  	_ =	swait.ge [sflag:s15], $0x4000  }
0x17c: {  	[sflag:s15] =	ssyncset.done $0x0  }
0x17d: {  	[sflag:s15] =	ssyncadd.s32 $0xFFFFC000  }
0x17e: {  	_ =	swait.ge [sflag:s11], $0x4000  }
0x17f: {  	[sflag:s11] =	ssyncset.done $0x0  }
0x180: {  	s31 =	rddreg [dreg:$0x17];
	[sflag:s11] =	ssyncadd.s32 $0xFFFFC000  }
0x181: {  	[hbm4b:s31+s10] =	stream.strided.scatter [tilespmem:s8], [sflag:$0x3], $0x4000, s12, s10, $0x38;
	[tilespmem:$0x18810] =	vst v63  }
0x182: {  	_ = 	snop  }
0x183: {  	[hbm4b:s5+s10] =	stream.strided.scatter [tilespmem:s9], [sflag:$0x4], $0x4000, s12, s10, $0x38;
	[tilespmem:$0x18810] =	vst v63  }
0x184: {  	_ =	swait.ge [sflag:s4], $0x4000  }
0x185: {  	[sflag:s4] =	ssyncset.done $0x0  }
0x186: {  	[sflag:s4] =	ssyncadd.s32 $0xFFFFC000  }
0x187: {  	_ =	swait.ge [sflag:s3], $0x4000  }
0x188: {  	[sflag:s3] =	ssyncset.done $0x0  }
0x189: {  	[sflag:s3] =	ssyncadd.s32 $0xFFFFC000  }
0x18a: {  	_ =	swait.ge [sflag:s4], $0x4000  }
0x18b: {  	[sflag:s4] =	ssyncset.done $0x0  }
0x18c: {  	[sflag:s4] =	ssyncadd.s32 $0xFFFFC000  }
0x18d: {  	_ =	swait.ge [sflag:s3], $0x4000  }
0x18e: {  	[sflag:s3] =	ssyncset.done $0x0  }
0x18f: {  	[sflag:s3] =	ssyncadd.s32 $0xFFFFC000  }
0x190: {  	_ =	swait.ge [sflag:s4], $0x4000  }
0x191: {  	[sflag:s4] =	ssyncset.done $0x0  }
0x192: {  	[sflag:s4] =	ssyncadd.s32 $0xFFFFC000  }
0x193: {  	_ =	swait.ge [sflag:s3], $0x4000  }
0x194: {  	[sflag:s3] =	ssyncset.done $0x0  }
0x195: {  	[sflag:s3] =	ssyncadd.s32 $0xFFFFC000  }
0x196: {  	_ =	sfence.sel $0x180000  }
0x197: {  	[bflag:$0x0] =	sbarrier.arrive $0xFFFF  }
0x198: {  	_ =	strace $0x90000047  }
0x199: {  	s0 =	sadd.s32 @!p0 $0x100000, s29;
	[bflag:$0x2] =	sbarrier.arrive $0xFFFF  }
0x19a: {  	[sflag:s0] =	ssyncadd.tile.s32 @!p0 $0x1;
	_ =	shalt  }
.LBB2_2:
.Ltmp3:
0x19b: {  	(pc) =	sbr.rel .LBB2_5-.Ltmp3, $2  }
0x19c: {  	_ =	sdelay $0x2  }
0x19d: {  	s29 =	rddreg [dreg:$0x7]  }
.Lfunc_end2:
_tile_overlayer_lowered:
.L_overlay_start_2:
0x19e: {  	(tag) =	ssettag $0x2  }
0x19f: {  	s0 =	rddreg [dreg:$0x0];
	s2 =	stileid.u32  }
0x1a0: {  	s1 =	rddreg [dreg:$0x1];
	p0 =	sne.s32 s2, $0x0  }
0x1a1: {  	s3 =	rddreg [dreg:$0x2];
	[bflag:$0x3] =	sbarrier.arrive $0xFFFF;
	s2 =	simm.s32 @!p0 $0x1C05  }
0x1a2: {  	[timem:s3], [sflag:s2] =	dma.local @!p0 [hbm:s0], s1  }
0x1a3: {  	s0 =	simm.s32 @!p0 $0x5  }
0x1a4: {  	_ =	swait.ge @!p0 [sflag:s0], s1  }
0x1a5: {  	s1 =	ssub.s32 @!p0 $0x0, s1;
	[sflag:s0] =	ssyncset.done @!p0 $0x0  }
0x1a6: {  	[sflag:s0] =	ssyncadd.s32 @!p0 s1  }
0x1a7: {  	[bflag:$0x3] =	sbarrier.arrive $0xFFFF  }
0x1a8: {  	_ =	shalt  }

</sc_bundles>
